<compile_context>
chip_gen: v7x
topology: tpu7x:2x2x1
jax: 0.10.2.dev20260603
libtpu: 0.0.44.dev20260713+nightly
codegen_flags: <defaults>
</compile_context>

<pallas_src>
import functools

import jax
import jax.numpy as jnp
from jax import lax
from jax.experimental import pallas as pl
from jax.experimental.pallas import tpu as pltpu
from jax.experimental.pallas import tpu_sc as plsc

NC = 2
NS = 16
L = 16
NW = NC * NS

B = 16384
D = 64
W = 128
CHUNK = 128
BPW = B // NW
KCH = BPW // CHUNK
JG = D // L

_mesh = plsc.VectorSubcoreMesh(core_axis_name="c", subcore_axis_name="s")


@functools.partial(
    pl.kernel,
    mesh=_mesh,
    out_type=jax.ShapeDtypeStruct((NW, L), jnp.float32),
    compiler_params=pltpu.CompilerParams(use_tc_tiling_on_sc=True),
    scratch_types=[
        pltpu.VMEM((2 * KCH, CHUNK), jnp.int32),
        pltpu.VMEM((KCH, CHUNK, W), jnp.float32),
        pltpu.VMEM((KCH, CHUNK // 2, W), jnp.float32),
        pltpu.VMEM((L,), jnp.float32),
        pltpu.SemaphoreType.DMA,
        pltpu.SemaphoreType.DMA,
    ],
)
def _center_loss_sc(z_hbm, lab_hbm, tab_hbm, out_hbm,
                    idx_v, rows_v, z_v, acc_v, sem, zsem):
    c = lax.axis_index("c")
    s = lax.axis_index("s")
    wid = c * NS + s

    pltpu.sync_copy(lab_hbm.at[wid], idx_v)
    zcp = pltpu.async_copy(z_hbm.at[wid], z_v, zsem)
    gathers = [
        pltpu.async_copy(tab_hbm.at[idx_v.at[k]], rows_v.at[k], sem)
        for k in range(KCH)
    ]
    zcp.wait()
    for cp in gathers:
        cp.wait()

    accs = (jnp.zeros((L,), jnp.float32),) * JG
    for k in range(KCH):
        def row_step(i, a, k=k):
            out = list(a)
            for p in range(2):
                for j in range(JG):
                    zv = z_v[k, i, pl.ds(p * D + j * L, L)]
                    cv = rows_v[k, 2 * i + p, pl.ds(j * L, L)]
                    d = zv - cv
                    out[j] = out[j] + d * d
            return tuple(out)
        accs = lax.fori_loop(0, CHUNK // 2, row_step, accs)

    tot = accs[0]
    for j in range(1, JG):
        tot = tot + accs[j]
    acc_v[...] = tot * (1.0 / B)
    pltpu.sync_copy(acc_v, out_hbm.at[wid])


def kernel(z, labels, centers):
    tab = jnp.pad(centers, ((0, 0), (0, W - D)))
    lab = jnp.pad(labels.astype(jnp.int32).reshape(NW, BPW),
                  ((0, 0), (0, BPW))).reshape(NW, 2 * KCH, CHUNK)
    zr = z.reshape(NW, KCH, CHUNK // 2, W)
    partials = _center_loss_sc(zr, lab, tab)
    return jnp.sum(partials)

# --- scband reference (transcript-rebuilt; emitter-appended) ---
"""Pipeline reference for scband-center-loss-2448131358818 (READ-ONLY COPY).

The authoritative reference and input builder live on the scoring server;
editing this copy changes nothing except your own understanding.
"""

import jax, jax.numpy as jnp
import numpy as np

NUM_CLASSES = 1000000
FEAT_DIM = 64
BATCH = 16384

def setup_inputs(seed: int = 0) -> dict:
    key = jax.random.key(seed)
    k1, k2, k3 = jax.random.split(key, 3)
    z = jax.random.normal(k1, (BATCH, FEAT_DIM), dtype=jnp.float32)
    labels = jax.random.randint(k2, (BATCH,), 0, NUM_CLASSES, dtype=jnp.int64 if jax.config.jax_enable_x64 else jnp.int32)
    centers = jax.random.normal(k3, (NUM_CLASSES, FEAT_DIM), dtype=jnp.float32)
    return {"z": z, "labels": labels, "centers": centers}

def reference(z, labels, centers):
    # centers_batch = self.centers[labels]  (gather from large table)
    centers_batch = jnp.take(centers, labels, axis=0)
    # loss = ((z - centers_batch) ** 2).sum(dim=1).mean()
    diff = z - centers_batch
    loss = jnp.mean(jnp.sum(diff * diff, axis=1))
    return loss

if __name__ == "__main__":
    import jax
    _d = setup_inputs()
    print(jax.jit(kernel)(*tuple(_d.values())))

</pallas_src>

<mosaic_0001>
#map = affine_map<(d0, d1) -> (0, 0, 0, 0)>
#map1 = affine_map<(d0, d1) -> (0, 0, 0)>
#map2 = affine_map<(d0, d1) -> (0, 0)>
module attributes {stable_mosaic.version = 14 : i64} {
  func.func @_center_loss_sc(%arg0: i32, %arg1: i32, %arg2: memref<32x4x64x128xf32, #tpu.memory_space<hbm>>, %arg3: memref<32x8x128xi32, #tpu.memory_space<hbm>>, %arg4: memref<1000000x128xf32, #tpu.memory_space<hbm>>, %arg5: memref<32x16xf32, #tpu.memory_space<hbm>>, %arg6: memref<8x128xi32, #tpu.memory_space<vmem>>, %arg7: memref<4x128x128xf32, #tpu.memory_space<vmem>>, %arg8: memref<4x64x128xf32, #tpu.memory_space<vmem>>, %arg9: memref<16xf32, #tpu.memory_space<vmem>>, %arg10: memref<!tpu.dma_semaphore, #tpu.memory_space<semaphore_mem>>, %arg11: memref<!tpu.dma_semaphore, #tpu.memory_space<semaphore_mem>>) attributes {dimension_semantics = [#tpu.dimension_semantics<core_parallel>, #tpu.dimension_semantics<subcore_parallel>], iteration_bounds = array<i64: 2, 16>, scalar_prefetch = 0 : i64, scratch_operands = 6 : i64, tpu.core_type = #tpu.core_type<sc_vector_subcore>, window_params = [{transform_indices = #map}, {transform_indices = #map1}, {transform_indices = #map2}, {transform_indices = #map2}]} {
    %mul3A = arith.constant 16 : i32
    %mul3A_0 = arith.muli %arg0, %mul3A : i32
    %add3A = arith.addi %mul3A_0, %arg1 : i32
    "tpu.region"() ({
      %run_scoped3A = tpu.sem_alloc : memref<!tpu.dma_semaphore, #tpu.memory_space<semaphore_mem>>
      %dma_start3A_148 = arith.constant 0 : i32
      %dma_start3A_149 = arith.constant 0 : i32
      %dma_start3A_150 = tpu.memref_slice %arg3[%add3A, %dma_start3A_148, %dma_start3A_149] : memref<32x8x128xi32, #tpu.memory_space<hbm>> -> memref<1x8x128xi32, #tpu.memory_space<hbm>>
      %dma_start3A_151 = tpu.memref_squeeze %dma_start3A_150 : memref<1x8x128xi32, #tpu.memory_space<hbm>> -> memref<8x128xi32, #tpu.memory_space<hbm>>
      %dma_start3A_152 = arith.constant 0 : i32
      %dma_start3A_153 = arith.constant 0 : i32
      %dma_start3A_154 = tpu.memref_slice %arg3[%add3A, %dma_start3A_152, %dma_start3A_153] : memref<32x8x128xi32, #tpu.memory_space<hbm>> -> memref<1x8x128xi32, #tpu.memory_space<hbm>>
      %dma_start3A_155 = tpu.memref_squeeze %dma_start3A_154 : memref<1x8x128xi32, #tpu.memory_space<hbm>> -> memref<8x128xi32, #tpu.memory_space<hbm>>
      tpu.enqueue_dma source(%dma_start3A_155 : memref<8x128xi32, #tpu.memory_space<hbm>>) target(%arg6 : memref<8x128xi32, #tpu.memory_space<vmem>>) target_semaphore(%run_scoped3A : memref<!tpu.dma_semaphore, #tpu.memory_space<semaphore_mem>>)
      %dma_wait3A_156 = arith.constant 0 : i32
      %dma_wait3A_157 = arith.constant 0 : i32
      %dma_wait3A_158 = tpu.memref_slice %arg3[%add3A, %dma_wait3A_156, %dma_wait3A_157] : memref<32x8x128xi32, #tpu.memory_space<hbm>> -> memref<1x8x128xi32, #tpu.memory_space<hbm>>
      %dma_wait3A_159 = tpu.memref_squeeze %dma_wait3A_158 : memref<1x8x128xi32, #tpu.memory_space<hbm>> -> memref<8x128xi32, #tpu.memory_space<hbm>>
      %dma_wait3A_160 = arith.constant 0 : i32
      %dma_wait3A_161 = arith.constant 0 : i32
      %dma_wait3A_162 = tpu.memref_slice %arg3[%add3A, %dma_wait3A_160, %dma_wait3A_161] : memref<32x8x128xi32, #tpu.memory_space<hbm>> -> memref<1x8x128xi32, #tpu.memory_space<hbm>>
      %dma_wait3A_163 = tpu.memref_squeeze %dma_wait3A_162 : memref<1x8x128xi32, #tpu.memory_space<hbm>> -> memref<8x128xi32, #tpu.memory_space<hbm>>
      tpu.wait_dma2 semaphore(%run_scoped3A : memref<!tpu.dma_semaphore, #tpu.memory_space<semaphore_mem>>) src(%dma_wait3A_163 : memref<8x128xi32, #tpu.memory_space<hbm>>) dst(%arg6 : memref<8x128xi32, #tpu.memory_space<vmem>>)
      tpu.yield
    }) : () -> ()
    %dma_start3A = arith.constant 0 : i32
    %dma_start3A_1 = arith.constant 0 : i32
    %dma_start3A_2 = arith.constant 0 : i32
    %dma_start3A_3 = tpu.memref_slice %arg2[%add3A, %dma_start3A, %dma_start3A_1, %dma_start3A_2] : memref<32x4x64x128xf32, #tpu.memory_space<hbm>> -> memref<1x4x64x128xf32, #tpu.memory_space<hbm>>
    %dma_start3A_4 = tpu.memref_squeeze %dma_start3A_3 : memref<1x4x64x128xf32, #tpu.memory_space<hbm>> -> memref<4x64x128xf32, #tpu.memory_space<hbm>>
    %dma_start3A_5 = arith.constant 0 : i32
    %dma_start3A_6 = arith.constant 0 : i32
    %dma_start3A_7 = arith.constant 0 : i32
    %dma_start3A_8 = tpu.memref_slice %arg2[%add3A, %dma_start3A_5, %dma_start3A_6, %dma_start3A_7] : memref<32x4x64x128xf32, #tpu.memory_space<hbm>> -> memref<1x4x64x128xf32, #tpu.memory_space<hbm>>
    %dma_start3A_9 = tpu.memref_squeeze %dma_start3A_8 : memref<1x4x64x128xf32, #tpu.memory_space<hbm>> -> memref<4x64x128xf32, #tpu.memory_space<hbm>>
    tpu.enqueue_dma source(%dma_start3A_9 : memref<4x64x128xf32, #tpu.memory_space<hbm>>) target(%arg8 : memref<4x64x128xf32, #tpu.memory_space<vmem>>) target_semaphore(%arg11 : memref<!tpu.dma_semaphore, #tpu.memory_space<semaphore_mem>>)
    %dma_start3A_10 = arith.constant 0 : i32
    %dma_start3A_11 = arith.constant 0 : i32
    %dma_start3A_12 = arith.constant 0 : i32
    %dma_start3A_13 = arith.constant 0 : i32
    %dma_start3A_14 = tpu.memref_slice %arg7[%dma_start3A_11, %dma_start3A_12, %dma_start3A_13] : memref<4x128x128xf32, #tpu.memory_space<vmem>> -> memref<1x128x128xf32, #tpu.memory_space<vmem>>
    %dma_start3A_15 = tpu.memref_squeeze %dma_start3A_14 : memref<1x128x128xf32, #tpu.memory_space<vmem>> -> memref<128x128xf32, #tpu.memory_space<vmem>>
    %dma_start3A_16 = arith.constant 0 : i32
    %dma_start3A_17 = tpu.memref_slice %arg6[%dma_start3A_10, %dma_start3A_16] : memref<8x128xi32, #tpu.memory_space<vmem>> -> memref<1x128xi32, #tpu.memory_space<vmem>>
    %dma_start3A_18 = tpu.memref_squeeze %dma_start3A_17 : memref<1x128xi32, #tpu.memory_space<vmem>> -> memref<128xi32, #tpu.memory_space<vmem>>
    %dma_start3A_19 = arith.constant 0 : i32
    %dma_start3A_20 = arith.constant 0 : i32
    %dma_start3A_21 = tpu.memref_slice %arg4[%dma_start3A_19, %dma_start3A_20] : memref<1000000x128xf32, #tpu.memory_space<hbm>> -> memref<1000000x128xf32, #tpu.memory_space<hbm>>
    tpu.enqueue_indirect_dma source(%dma_start3A_21 : memref<1000000x128xf32, #tpu.memory_space<hbm>>) target(%dma_start3A_15 : memref<128x128xf32, #tpu.memory_space<vmem>>) offsets(%dma_start3A_18 : memref<128xi32, #tpu.memory_space<vmem>>) semaphore(%arg10 : memref<!tpu.dma_semaphore, #tpu.memory_space<semaphore_mem>>)
    %dma_start3A_22 = arith.constant 1 : i32
    %dma_start3A_23 = arith.constant 1 : i32
    %dma_start3A_24 = arith.constant 0 : i32
    %dma_start3A_25 = arith.constant 0 : i32
    %dma_start3A_26 = tpu.memref_slice %arg7[%dma_start3A_23, %dma_start3A_24, %dma_start3A_25] : memref<4x128x128xf32, #tpu.memory_space<vmem>> -> memref<1x128x128xf32, #tpu.memory_space<vmem>>
    %dma_start3A_27 = tpu.memref_squeeze %dma_start3A_26 : memref<1x128x128xf32, #tpu.memory_space<vmem>> -> memref<128x128xf32, #tpu.memory_space<vmem>>
    %dma_start3A_28 = arith.constant 0 : i32
    %dma_start3A_29 = tpu.memref_slice %arg6[%dma_start3A_22, %dma_start3A_28] : memref<8x128xi32, #tpu.memory_space<vmem>> -> memref<1x128xi32, #tpu.memory_space<vmem>>
    %dma_start3A_30 = tpu.memref_squeeze %dma_start3A_29 : memref<1x128xi32, #tpu.memory_space<vmem>> -> memref<128xi32, #tpu.memory_space<vmem>>
    %dma_start3A_31 = arith.constant 0 : i32
    %dma_start3A_32 = arith.constant 0 : i32
    %dma_start3A_33 = tpu.memref_slice %arg4[%dma_start3A_31, %dma_start3A_32] : memref<1000000x128xf32, #tpu.memory_space<hbm>> -> memref<1000000x128xf32, #tpu.memory_space<hbm>>
    tpu.enqueue_indirect_dma source(%dma_start3A_33 : memref<1000000x128xf32, #tpu.memory_space<hbm>>) target(%dma_start3A_27 : memref<128x128xf32, #tpu.memory_space<vmem>>) offsets(%dma_start3A_30 : memref<128xi32, #tpu.memory_space<vmem>>) semaphore(%arg10 : memref<!tpu.dma_semaphore, #tpu.memory_space<semaphore_mem>>)
    %dma_start3A_34 = arith.constant 2 : i32
    %dma_start3A_35 = arith.constant 2 : i32
    %dma_start3A_36 = arith.constant 0 : i32
    %dma_start3A_37 = arith.constant 0 : i32
    %dma_start3A_38 = tpu.memref_slice %arg7[%dma_start3A_35, %dma_start3A_36, %dma_start3A_37] : memref<4x128x128xf32, #tpu.memory_space<vmem>> -> memref<1x128x128xf32, #tpu.memory_space<vmem>>
    %dma_start3A_39 = tpu.memref_squeeze %dma_start3A_38 : memref<1x128x128xf32, #tpu.memory_space<vmem>> -> memref<128x128xf32, #tpu.memory_space<vmem>>
    %dma_start3A_40 = arith.constant 0 : i32
    %dma_start3A_41 = tpu.memref_slice %arg6[%dma_start3A_34, %dma_start3A_40] : memref<8x128xi32, #tpu.memory_space<vmem>> -> memref<1x128xi32, #tpu.memory_space<vmem>>
    %dma_start3A_42 = tpu.memref_squeeze %dma_start3A_41 : memref<1x128xi32, #tpu.memory_space<vmem>> -> memref<128xi32, #tpu.memory_space<vmem>>
    %dma_start3A_43 = arith.constant 0 : i32
    %dma_start3A_44 = arith.constant 0 : i32
    %dma_start3A_45 = tpu.memref_slice %arg4[%dma_start3A_43, %dma_start3A_44] : memref<1000000x128xf32, #tpu.memory_space<hbm>> -> memref<1000000x128xf32, #tpu.memory_space<hbm>>
    tpu.enqueue_indirect_dma source(%dma_start3A_45 : memref<1000000x128xf32, #tpu.memory_space<hbm>>) target(%dma_start3A_39 : memref<128x128xf32, #tpu.memory_space<vmem>>) offsets(%dma_start3A_42 : memref<128xi32, #tpu.memory_space<vmem>>) semaphore(%arg10 : memref<!tpu.dma_semaphore, #tpu.memory_space<semaphore_mem>>)
    %dma_start3A_46 = arith.constant 3 : i32
    %dma_start3A_47 = arith.constant 3 : i32
    %dma_start3A_48 = arith.constant 0 : i32
    %dma_start3A_49 = arith.constant 0 : i32
    %dma_start3A_50 = tpu.memref_slice %arg7[%dma_start3A_47, %dma_start3A_48, %dma_start3A_49] : memref<4x128x128xf32, #tpu.memory_space<vmem>> -> memref<1x128x128xf32, #tpu.memory_space<vmem>>
    %dma_start3A_51 = tpu.memref_squeeze %dma_start3A_50 : memref<1x128x128xf32, #tpu.memory_space<vmem>> -> memref<128x128xf32, #tpu.memory_space<vmem>>
    %dma_start3A_52 = arith.constant 0 : i32
    %dma_start3A_53 = tpu.memref_slice %arg6[%dma_start3A_46, %dma_start3A_52] : memref<8x128xi32, #tpu.memory_space<vmem>> -> memref<1x128xi32, #tpu.memory_space<vmem>>
    %dma_start3A_54 = tpu.memref_squeeze %dma_start3A_53 : memref<1x128xi32, #tpu.memory_space<vmem>> -> memref<128xi32, #tpu.memory_space<vmem>>
    %dma_start3A_55 = arith.constant 0 : i32
    %dma_start3A_56 = arith.constant 0 : i32
    %dma_start3A_57 = tpu.memref_slice %arg4[%dma_start3A_55, %dma_start3A_56] : memref<1000000x128xf32, #tpu.memory_space<hbm>> -> memref<1000000x128xf32, #tpu.memory_space<hbm>>
    tpu.enqueue_indirect_dma source(%dma_start3A_57 : memref<1000000x128xf32, #tpu.memory_space<hbm>>) target(%dma_start3A_51 : memref<128x128xf32, #tpu.memory_space<vmem>>) offsets(%dma_start3A_54 : memref<128xi32, #tpu.memory_space<vmem>>) semaphore(%arg10 : memref<!tpu.dma_semaphore, #tpu.memory_space<semaphore_mem>>)
    %dma_wait3A = arith.constant 0 : i32
    %dma_wait3A_58 = arith.constant 0 : i32
    %dma_wait3A_59 = arith.constant 0 : i32
    %dma_wait3A_60 = tpu.memref_slice %arg2[%add3A, %dma_wait3A, %dma_wait3A_58, %dma_wait3A_59] : memref<32x4x64x128xf32, #tpu.memory_space<hbm>> -> memref<1x4x64x128xf32, #tpu.memory_space<hbm>>
    %dma_wait3A_61 = tpu.memref_squeeze %dma_wait3A_60 : memref<1x4x64x128xf32, #tpu.memory_space<hbm>> -> memref<4x64x128xf32, #tpu.memory_space<hbm>>
    %dma_wait3A_62 = arith.constant 0 : i32
    %dma_wait3A_63 = arith.constant 0 : i32
    %dma_wait3A_64 = arith.constant 0 : i32
    %dma_wait3A_65 = tpu.memref_slice %arg2[%add3A, %dma_wait3A_62, %dma_wait3A_63, %dma_wait3A_64] : memref<32x4x64x128xf32, #tpu.memory_space<hbm>> -> memref<1x4x64x128xf32, #tpu.memory_space<hbm>>
    %dma_wait3A_66 = tpu.memref_squeeze %dma_wait3A_65 : memref<1x4x64x128xf32, #tpu.memory_space<hbm>> -> memref<4x64x128xf32, #tpu.memory_space<hbm>>
    tpu.wait_dma2 semaphore(%arg11 : memref<!tpu.dma_semaphore, #tpu.memory_space<semaphore_mem>>) src(%dma_wait3A_66 : memref<4x64x128xf32, #tpu.memory_space<hbm>>) dst(%arg8 : memref<4x64x128xf32, #tpu.memory_space<vmem>>)
    %dma_wait3A_67 = arith.constant 0 : i32
    %dma_wait3A_68 = arith.constant 0 : i32
    %dma_wait3A_69 = arith.constant 0 : i32
    %dma_wait3A_70 = arith.constant 0 : i32
    %dma_wait3A_71 = tpu.memref_slice %arg7[%dma_wait3A_68, %dma_wait3A_69, %dma_wait3A_70] : memref<4x128x128xf32, #tpu.memory_space<vmem>> -> memref<1x128x128xf32, #tpu.memory_space<vmem>>
    %dma_wait3A_72 = tpu.memref_squeeze %dma_wait3A_71 : memref<1x128x128xf32, #tpu.memory_space<vmem>> -> memref<128x128xf32, #tpu.memory_space<vmem>>
    %dma_wait3A_73 = arith.constant 0 : i32
    %dma_wait3A_74 = tpu.memref_slice %arg6[%dma_wait3A_67, %dma_wait3A_73] : memref<8x128xi32, #tpu.memory_space<vmem>> -> memref<1x128xi32, #tpu.memory_space<vmem>>
    %dma_wait3A_75 = tpu.memref_squeeze %dma_wait3A_74 : memref<1x128xi32, #tpu.memory_space<vmem>> -> memref<128xi32, #tpu.memory_space<vmem>>
    %dma_wait3A_76 = arith.constant 0 : i32
    %dma_wait3A_77 = arith.constant 0 : i32
    %dma_wait3A_78 = tpu.memref_slice %arg4[%dma_wait3A_76, %dma_wait3A_77] : memref<1000000x128xf32, #tpu.memory_space<hbm>> -> memref<1000000x128xf32, #tpu.memory_space<hbm>>
    tpu.wait_indirect_dma semaphore(%arg10 : memref<!tpu.dma_semaphore, #tpu.memory_space<semaphore_mem>>) src(%dma_wait3A_78 : memref<1000000x128xf32, #tpu.memory_space<hbm>>) dst(%dma_wait3A_72 : memref<128x128xf32, #tpu.memory_space<vmem>>)
    %dma_wait3A_79 = arith.constant 1 : i32
    %dma_wait3A_80 = arith.constant 1 : i32
    %dma_wait3A_81 = arith.constant 0 : i32
    %dma_wait3A_82 = arith.constant 0 : i32
    %dma_wait3A_83 = tpu.memref_slice %arg7[%dma_wait3A_80, %dma_wait3A_81, %dma_wait3A_82] : memref<4x128x128xf32, #tpu.memory_space<vmem>> -> memref<1x128x128xf32, #tpu.memory_space<vmem>>
    %dma_wait3A_84 = tpu.memref_squeeze %dma_wait3A_83 : memref<1x128x128xf32, #tpu.memory_space<vmem>> -> memref<128x128xf32, #tpu.memory_space<vmem>>
    %dma_wait3A_85 = arith.constant 0 : i32
    %dma_wait3A_86 = tpu.memref_slice %arg6[%dma_wait3A_79, %dma_wait3A_85] : memref<8x128xi32, #tpu.memory_space<vmem>> -> memref<1x128xi32, #tpu.memory_space<vmem>>
    %dma_wait3A_87 = tpu.memref_squeeze %dma_wait3A_86 : memref<1x128xi32, #tpu.memory_space<vmem>> -> memref<128xi32, #tpu.memory_space<vmem>>
    %dma_wait3A_88 = arith.constant 0 : i32
    %dma_wait3A_89 = arith.constant 0 : i32
    %dma_wait3A_90 = tpu.memref_slice %arg4[%dma_wait3A_88, %dma_wait3A_89] : memref<1000000x128xf32, #tpu.memory_space<hbm>> -> memref<1000000x128xf32, #tpu.memory_space<hbm>>
    tpu.wait_indirect_dma semaphore(%arg10 : memref<!tpu.dma_semaphore, #tpu.memory_space<semaphore_mem>>) src(%dma_wait3A_90 : memref<1000000x128xf32, #tpu.memory_space<hbm>>) dst(%dma_wait3A_84 : memref<128x128xf32, #tpu.memory_space<vmem>>)
    %dma_wait3A_91 = arith.constant 2 : i32
    %dma_wait3A_92 = arith.constant 2 : i32
    %dma_wait3A_93 = arith.constant 0 : i32
    %dma_wait3A_94 = arith.constant 0 : i32
    %dma_wait3A_95 = tpu.memref_slice %arg7[%dma_wait3A_92, %dma_wait3A_93, %dma_wait3A_94] : memref<4x128x128xf32, #tpu.memory_space<vmem>> -> memref<1x128x128xf32, #tpu.memory_space<vmem>>
    %dma_wait3A_96 = tpu.memref_squeeze %dma_wait3A_95 : memref<1x128x128xf32, #tpu.memory_space<vmem>> -> memref<128x128xf32, #tpu.memory_space<vmem>>
    %dma_wait3A_97 = arith.constant 0 : i32
    %dma_wait3A_98 = tpu.memref_slice %arg6[%dma_wait3A_91, %dma_wait3A_97] : memref<8x128xi32, #tpu.memory_space<vmem>> -> memref<1x128xi32, #tpu.memory_space<vmem>>
    %dma_wait3A_99 = tpu.memref_squeeze %dma_wait3A_98 : memref<1x128xi32, #tpu.memory_space<vmem>> -> memref<128xi32, #tpu.memory_space<vmem>>
    %dma_wait3A_100 = arith.constant 0 : i32
    %dma_wait3A_101 = arith.constant 0 : i32
    %dma_wait3A_102 = tpu.memref_slice %arg4[%dma_wait3A_100, %dma_wait3A_101] : memref<1000000x128xf32, #tpu.memory_space<hbm>> -> memref<1000000x128xf32, #tpu.memory_space<hbm>>
    tpu.wait_indirect_dma semaphore(%arg10 : memref<!tpu.dma_semaphore, #tpu.memory_space<semaphore_mem>>) src(%dma_wait3A_102 : memref<1000000x128xf32, #tpu.memory_space<hbm>>) dst(%dma_wait3A_96 : memref<128x128xf32, #tpu.memory_space<vmem>>)
    %dma_wait3A_103 = arith.constant 3 : i32
    %dma_wait3A_104 = arith.constant 3 : i32
    %dma_wait3A_105 = arith.constant 0 : i32
    %dma_wait3A_106 = arith.constant 0 : i32
    %dma_wait3A_107 = tpu.memref_slice %arg7[%dma_wait3A_104, %dma_wait3A_105, %dma_wait3A_106] : memref<4x128x128xf32, #tpu.memory_space<vmem>> -> memref<1x128x128xf32, #tpu.memory_space<vmem>>
    %dma_wait3A_108 = tpu.memref_squeeze %dma_wait3A_107 : memref<1x128x128xf32, #tpu.memory_space<vmem>> -> memref<128x128xf32, #tpu.memory_space<vmem>>
    %dma_wait3A_109 = arith.constant 0 : i32
    %dma_wait3A_110 = tpu.memref_slice %arg6[%dma_wait3A_103, %dma_wait3A_109] : memref<8x128xi32, #tpu.memory_space<vmem>> -> memref<1x128xi32, #tpu.memory_space<vmem>>
    %dma_wait3A_111 = tpu.memref_squeeze %dma_wait3A_110 : memref<1x128xi32, #tpu.memory_space<vmem>> -> memref<128xi32, #tpu.memory_space<vmem>>
    %dma_wait3A_112 = arith.constant 0 : i32
    %dma_wait3A_113 = arith.constant 0 : i32
    %dma_wait3A_114 = tpu.memref_slice %arg4[%dma_wait3A_112, %dma_wait3A_113] : memref<1000000x128xf32, #tpu.memory_space<hbm>> -> memref<1000000x128xf32, #tpu.memory_space<hbm>>
    tpu.wait_indirect_dma semaphore(%arg10 : memref<!tpu.dma_semaphore, #tpu.memory_space<semaphore_mem>>) src(%dma_wait3A_114 : memref<1000000x128xf32, #tpu.memory_space<hbm>>) dst(%dma_wait3A_108 : memref<128x128xf32, #tpu.memory_space<vmem>>)
    %broadcast_in_dim3A = arith.constant 0.000000e+00 : f32
    %broadcast_in_dim3A_115 = vector.broadcast %broadcast_in_dim3A : f32 to vector<16xf32>
    %scan3A = arith.constant 0 : i32
    %scan3A_116 = arith.constant 64 : i32
    %scan3A_117 = arith.addi %scan3A, %scan3A_116 : i32
    %scan3A_118 = arith.constant 1 : i32
    %scan3A_119:4 = scf.for %scan3A_148 = %scan3A to %scan3A_117 step %scan3A_118 iter_args(%scan3A_149 = %broadcast_in_dim3A_115, %scan3A_150 = %broadcast_in_dim3A_115, %scan3A_151 = %broadcast_in_dim3A_115, %scan3A_152 = %broadcast_in_dim3A_115) -> (vector<16xf32>, vector<16xf32>, vector<16xf32>, vector<16xf32>)  : i32 {
      %get3A = arith.constant 0 : i32
      %get3A_153 = arith.index_cast %get3A : i32 to index
      %get3A_154 = arith.index_cast %scan3A_148 : i32 to index
      %get3A_155 = arith.constant 0 : index
      %get3A_156 = tpu.vector_load %arg8[%get3A_153, %get3A_154, %get3A_155] {strides = array<i32>} : memref<4x64x128xf32, #tpu.memory_space<vmem>>, vector<1x1x16xf32>,
      %get3A_157 = vector.shape_cast %get3A_156 : vector<1x1x16xf32> to vector<16xf32>
      %mul3A_158 = arith.constant 2 : i32
      %mul3A_159 = arith.muli %mul3A_158, %scan3A_148 : i32
      %add3A_160 = arith.constant 0 : i32
      %add3A_161 = arith.addi %mul3A_159, %add3A_160 : i32
      %get3A_162 = arith.constant 0 : i32
      %get3A_163 = arith.index_cast %get3A_162 : i32 to index
      %get3A_164 = arith.index_cast %add3A_161 : i32 to index
      %get3A_165 = arith.constant 0 : index
      %get3A_166 = tpu.vector_load %arg7[%get3A_163, %get3A_164, %get3A_165] {strides = array<i32>} : memref<4x128x128xf32, #tpu.memory_space<vmem>>, vector<1x1x16xf32>,
      %get3A_167 = vector.shape_cast %get3A_166 : vector<1x1x16xf32> to vector<16xf32>
      %sub3A = arith.subf %get3A_157, %get3A_167 : vector<16xf32>
      %mul3A_168 = arith.mulf %sub3A, %sub3A : vector<16xf32>
      %add3A_169 = arith.addf %scan3A_149, %mul3A_168 : vector<16xf32>
      %get3A_170 = arith.constant 0 : i32
      %get3A_171 = arith.index_cast %get3A_170 : i32 to index
      %get3A_172 = arith.index_cast %scan3A_148 : i32 to index
      %get3A_173 = arith.constant 16 : index
      %get3A_174 = tpu.vector_load %arg8[%get3A_171, %get3A_172, %get3A_173] {strides = array<i32>} : memref<4x64x128xf32, #tpu.memory_space<vmem>>, vector<1x1x16xf32>,
      %get3A_175 = vector.shape_cast %get3A_174 : vector<1x1x16xf32> to vector<16xf32>
      %mul3A_176 = arith.constant 2 : i32
      %mul3A_177 = arith.muli %mul3A_176, %scan3A_148 : i32
      %add3A_178 = arith.constant 0 : i32
      %add3A_179 = arith.addi %mul3A_177, %add3A_178 : i32
      %get3A_180 = arith.constant 0 : i32
      %get3A_181 = arith.index_cast %get3A_180 : i32 to index
      %get3A_182 = arith.index_cast %add3A_179 : i32 to index
      %get3A_183 = arith.constant 16 : index
      %get3A_184 = tpu.vector_load %arg7[%get3A_181, %get3A_182, %get3A_183] {strides = array<i32>} : memref<4x128x128xf32, #tpu.memory_space<vmem>>, vector<1x1x16xf32>,
      %get3A_185 = vector.shape_cast %get3A_184 : vector<1x1x16xf32> to vector<16xf32>
      %sub3A_186 = arith.subf %get3A_175, %get3A_185 : vector<16xf32>
      %mul3A_187 = arith.mulf %sub3A_186, %sub3A_186 : vector<16xf32>
      %add3A_188 = arith.addf %scan3A_150, %mul3A_187 : vector<16xf32>
      %get3A_189 = arith.constant 0 : i32
      %get3A_190 = arith.index_cast %get3A_189 : i32 to index
      %get3A_191 = arith.index_cast %scan3A_148 : i32 to index
      %get3A_192 = arith.constant 32 : index
      %get3A_193 = tpu.vector_load %arg8[%get3A_190, %get3A_191, %get3A_192] {strides = array<i32>} : memref<4x64x128xf32, #tpu.memory_space<vmem>>, vector<1x1x16xf32>,
      %get3A_194 = vector.shape_cast %get3A_193 : vector<1x1x16xf32> to vector<16xf32>
      %mul3A_195 = arith.constant 2 : i32
      %mul3A_196 = arith.muli %mul3A_195, %scan3A_148 : i32
      %add3A_197 = arith.constant 0 : i32
      %add3A_198 = arith.addi %mul3A_196, %add3A_197 : i32
      %get3A_199 = arith.constant 0 : i32
      %get3A_200 = arith.index_cast %get3A_199 : i32 to index
      %get3A_201 = arith.index_cast %add3A_198 : i32 to index
      %get3A_202 = arith.constant 32 : index
      %get3A_203 = tpu.vector_load %arg7[%get3A_200, %get3A_201, %get3A_202] {strides = array<i32>} : memref<4x128x128xf32, #tpu.memory_space<vmem>>, vector<1x1x16xf32>,
      %get3A_204 = vector.shape_cast %get3A_203 : vector<1x1x16xf32> to vector<16xf32>
      %sub3A_205 = arith.subf %get3A_194, %get3A_204 : vector<16xf32>
      %mul3A_206 = arith.mulf %sub3A_205, %sub3A_205 : vector<16xf32>
      %add3A_207 = arith.addf %scan3A_151, %mul3A_206 : vector<16xf32>
      %get3A_208 = arith.constant 0 : i32
      %get3A_209 = arith.index_cast %get3A_208 : i32 to index
      %get3A_210 = arith.index_cast %scan3A_148 : i32 to index
      %get3A_211 = arith.constant 48 : index
      %get3A_212 = tpu.vector_load %arg8[%get3A_209, %get3A_210, %get3A_211] {strides = array<i32>} : memref<4x64x128xf32, #tpu.memory_space<vmem>>, vector<1x1x16xf32>,
      %get3A_213 = vector.shape_cast %get3A_212 : vector<1x1x16xf32> to vector<16xf32>
      %mul3A_214 = arith.constant 2 : i32
      %mul3A_215 = arith.muli %mul3A_214, %scan3A_148 : i32
      %add3A_216 = arith.constant 0 : i32
      %add3A_217 = arith.addi %mul3A_215, %add3A_216 : i32
      %get3A_218 = arith.constant 0 : i32
      %get3A_219 = arith.index_cast %get3A_218 : i32 to index
      %get3A_220 = arith.index_cast %add3A_217 : i32 to index
      %get3A_221 = arith.constant 48 : index
      %get3A_222 = tpu.vector_load %arg7[%get3A_219, %get3A_220, %get3A_221] {strides = array<i32>} : memref<4x128x128xf32, #tpu.memory_space<vmem>>, vector<1x1x16xf32>,
      %get3A_223 = vector.shape_cast %get3A_222 : vector<1x1x16xf32> to vector<16xf32>
      %sub3A_224 = arith.subf %get3A_213, %get3A_223 : vector<16xf32>
      %mul3A_225 = arith.mulf %sub3A_224, %sub3A_224 : vector<16xf32>
      %add3A_226 = arith.addf %scan3A_152, %mul3A_225 : vector<16xf32>
      %get3A_227 = arith.constant 0 : i32
      %get3A_228 = arith.index_cast %get3A_227 : i32 to index
      %get3A_229 = arith.index_cast %scan3A_148 : i32 to index
      %get3A_230 = arith.constant 64 : index
      %get3A_231 = tpu.vector_load %arg8[%get3A_228, %get3A_229, %get3A_230] {strides = array<i32>} : memref<4x64x128xf32, #tpu.memory_space<vmem>>, vector<1x1x16xf32>,
      %get3A_232 = vector.shape_cast %get3A_231 : vector<1x1x16xf32> to vector<16xf32>
      %mul3A_233 = arith.constant 2 : i32
      %mul3A_234 = arith.muli %mul3A_233, %scan3A_148 : i32
      %add3A_235 = arith.constant 1 : i32
      %add3A_236 = arith.addi %mul3A_234, %add3A_235 : i32
      %get3A_237 = arith.constant 0 : i32
      %get3A_238 = arith.index_cast %get3A_237 : i32 to index
      %get3A_239 = arith.index_cast %add3A_236 : i32 to index
      %get3A_240 = arith.constant 0 : index
      %get3A_241 = tpu.vector_load %arg7[%get3A_238, %get3A_239, %get3A_240] {strides = array<i32>} : memref<4x128x128xf32, #tpu.memory_space<vmem>>, vector<1x1x16xf32>,
      %get3A_242 = vector.shape_cast %get3A_241 : vector<1x1x16xf32> to vector<16xf32>
      %sub3A_243 = arith.subf %get3A_232, %get3A_242 : vector<16xf32>
      %mul3A_244 = arith.mulf %sub3A_243, %sub3A_243 : vector<16xf32>
      %add3A_245 = arith.addf %add3A_169, %mul3A_244 : vector<16xf32>
      %get3A_246 = arith.constant 0 : i32
      %get3A_247 = arith.index_cast %get3A_246 : i32 to index
      %get3A_248 = arith.index_cast %scan3A_148 : i32 to index
      %get3A_249 = arith.constant 80 : index
      %get3A_250 = tpu.vector_load %arg8[%get3A_247, %get3A_248, %get3A_249] {strides = array<i32>} : memref<4x64x128xf32, #tpu.memory_space<vmem>>, vector<1x1x16xf32>,
      %get3A_251 = vector.shape_cast %get3A_250 : vector<1x1x16xf32> to vector<16xf32>
      %mul3A_252 = arith.constant 2 : i32
      %mul3A_253 = arith.muli %mul3A_252, %scan3A_148 : i32
      %add3A_254 = arith.constant 1 : i32
      %add3A_255 = arith.addi %mul3A_253, %add3A_254 : i32
      %get3A_256 = arith.constant 0 : i32
      %get3A_257 = arith.index_cast %get3A_256 : i32 to index
      %get3A_258 = arith.index_cast %add3A_255 : i32 to index
      %get3A_259 = arith.constant 16 : index
      %get3A_260 = tpu.vector_load %arg7[%get3A_257, %get3A_258, %get3A_259] {strides = array<i32>} : memref<4x128x128xf32, #tpu.memory_space<vmem>>, vector<1x1x16xf32>,
      %get3A_261 = vector.shape_cast %get3A_260 : vector<1x1x16xf32> to vector<16xf32>
      %sub3A_262 = arith.subf %get3A_251, %get3A_261 : vector<16xf32>
      %mul3A_263 = arith.mulf %sub3A_262, %sub3A_262 : vector<16xf32>
      %add3A_264 = arith.addf %add3A_188, %mul3A_263 : vector<16xf32>
      %get3A_265 = arith.constant 0 : i32
      %get3A_266 = arith.index_cast %get3A_265 : i32 to index
      %get3A_267 = arith.index_cast %scan3A_148 : i32 to index
      %get3A_268 = arith.constant 96 : index
      %get3A_269 = tpu.vector_load %arg8[%get3A_266, %get3A_267, %get3A_268] {strides = array<i32>} : memref<4x64x128xf32, #tpu.memory_space<vmem>>, vector<1x1x16xf32>,
      %get3A_270 = vector.shape_cast %get3A_269 : vector<1x1x16xf32> to vector<16xf32>
      %mul3A_271 = arith.constant 2 : i32
      %mul3A_272 = arith.muli %mul3A_271, %scan3A_148 : i32
      %add3A_273 = arith.constant 1 : i32
      %add3A_274 = arith.addi %mul3A_272, %add3A_273 : i32
      %get3A_275 = arith.constant 0 : i32
      %get3A_276 = arith.index_cast %get3A_275 : i32 to index
      %get3A_277 = arith.index_cast %add3A_274 : i32 to index
      %get3A_278 = arith.constant 32 : index
      %get3A_279 = tpu.vector_load %arg7[%get3A_276, %get3A_277, %get3A_278] {strides = array<i32>} : memref<4x128x128xf32, #tpu.memory_space<vmem>>, vector<1x1x16xf32>,
      %get3A_280 = vector.shape_cast %get3A_279 : vector<1x1x16xf32> to vector<16xf32>
      %sub3A_281 = arith.subf %get3A_270, %get3A_280 : vector<16xf32>
      %mul3A_282 = arith.mulf %sub3A_281, %sub3A_281 : vector<16xf32>
      %add3A_283 = arith.addf %add3A_207, %mul3A_282 : vector<16xf32>
      %get3A_284 = arith.constant 0 : i32
      %get3A_285 = arith.index_cast %get3A_284 : i32 to index
      %get3A_286 = arith.index_cast %scan3A_148 : i32 to index
      %get3A_287 = arith.constant 112 : index
      %get3A_288 = tpu.vector_load %arg8[%get3A_285, %get3A_286, %get3A_287] {strides = array<i32>} : memref<4x64x128xf32, #tpu.memory_space<vmem>>, vector<1x1x16xf32>,
      %get3A_289 = vector.shape_cast %get3A_288 : vector<1x1x16xf32> to vector<16xf32>
      %mul3A_290 = arith.constant 2 : i32
      %mul3A_291 = arith.muli %mul3A_290, %scan3A_148 : i32
      %add3A_292 = arith.constant 1 : i32
      %add3A_293 = arith.addi %mul3A_291, %add3A_292 : i32
      %get3A_294 = arith.constant 0 : i32
      %get3A_295 = arith.index_cast %get3A_294 : i32 to index
      %get3A_296 = arith.index_cast %add3A_293 : i32 to index
      %get3A_297 = arith.constant 48 : index
      %get3A_298 = tpu.vector_load %arg7[%get3A_295, %get3A_296, %get3A_297] {strides = array<i32>} : memref<4x128x128xf32, #tpu.memory_space<vmem>>, vector<1x1x16xf32>,
      %get3A_299 = vector.shape_cast %get3A_298 : vector<1x1x16xf32> to vector<16xf32>
      %sub3A_300 = arith.subf %get3A_289, %get3A_299 : vector<16xf32>
      %mul3A_301 = arith.mulf %sub3A_300, %sub3A_300 : vector<16xf32>
      %add3A_302 = arith.addf %add3A_226, %mul3A_301 : vector<16xf32>
      scf.yield %add3A_245, %add3A_264, %add3A_283, %add3A_302 : vector<16xf32>, vector<16xf32>, vector<16xf32>, vector<16xf32>
    }
    %scan3A_120 = arith.constant 64 : i32
    %scan3A_121 = arith.constant 0 : i32
    %scan3A_122 = arith.constant 64 : i32
    %scan3A_123 = arith.addi %scan3A_121, %scan3A_122 : i32
    %scan3A_124 = arith.constant 1 : i32
    %scan3A_125:4 = scf.for %scan3A_148 = %scan3A_121 to %scan3A_123 step %scan3A_124 iter_args(%scan3A_149 = %scan3A_119#0, %scan3A_150 = %scan3A_119#1, %scan3A_151 = %scan3A_119#2, %scan3A_152 = %scan3A_119#3) -> (vector<16xf32>, vector<16xf32>, vector<16xf32>, vector<16xf32>)  : i32 {
      %get3A = arith.constant 1 : i32
      %get3A_153 = arith.index_cast %get3A : i32 to index
      %get3A_154 = arith.index_cast %scan3A_148 : i32 to index
      %get3A_155 = arith.constant 0 : index
      %get3A_156 = tpu.vector_load %arg8[%get3A_153, %get3A_154, %get3A_155] {strides = array<i32>} : memref<4x64x128xf32, #tpu.memory_space<vmem>>, vector<1x1x16xf32>,
      %get3A_157 = vector.shape_cast %get3A_156 : vector<1x1x16xf32> to vector<16xf32>
      %mul3A_158 = arith.constant 2 : i32
      %mul3A_159 = arith.muli %mul3A_158, %scan3A_148 : i32
      %add3A_160 = arith.constant 0 : i32
      %add3A_161 = arith.addi %mul3A_159, %add3A_160 : i32
      %get3A_162 = arith.constant 1 : i32
      %get3A_163 = arith.index_cast %get3A_162 : i32 to index
      %get3A_164 = arith.index_cast %add3A_161 : i32 to index
      %get3A_165 = arith.constant 0 : index
      %get3A_166 = tpu.vector_load %arg7[%get3A_163, %get3A_164, %get3A_165] {strides = array<i32>} : memref<4x128x128xf32, #tpu.memory_space<vmem>>, vector<1x1x16xf32>,
      %get3A_167 = vector.shape_cast %get3A_166 : vector<1x1x16xf32> to vector<16xf32>
      %sub3A = arith.subf %get3A_157, %get3A_167 : vector<16xf32>
      %mul3A_168 = arith.mulf %sub3A, %sub3A : vector<16xf32>
      %add3A_169 = arith.addf %scan3A_149, %mul3A_168 : vector<16xf32>
      %get3A_170 = arith.constant 1 : i32
      %get3A_171 = arith.index_cast %get3A_170 : i32 to index
      %get3A_172 = arith.index_cast %scan3A_148 : i32 to index
      %get3A_173 = arith.constant 16 : index
      %get3A_174 = tpu.vector_load %arg8[%get3A_171, %get3A_172, %get3A_173] {strides = array<i32>} : memref<4x64x128xf32, #tpu.memory_space<vmem>>, vector<1x1x16xf32>,
      %get3A_175 = vector.shape_cast %get3A_174 : vector<1x1x16xf32> to vector<16xf32>
      %mul3A_176 = arith.constant 2 : i32
      %mul3A_177 = arith.muli %mul3A_176, %scan3A_148 : i32
      %add3A_178 = arith.constant 0 : i32
      %add3A_179 = arith.addi %mul3A_177, %add3A_178 : i32
      %get3A_180 = arith.constant 1 : i32
      %get3A_181 = arith.index_cast %get3A_180 : i32 to index
      %get3A_182 = arith.index_cast %add3A_179 : i32 to index
      %get3A_183 = arith.constant 16 : index
      %get3A_184 = tpu.vector_load %arg7[%get3A_181, %get3A_182, %get3A_183] {strides = array<i32>} : memref<4x128x128xf32, #tpu.memory_space<vmem>>, vector<1x1x16xf32>,
      %get3A_185 = vector.shape_cast %get3A_184 : vector<1x1x16xf32> to vector<16xf32>
      %sub3A_186 = arith.subf %get3A_175, %get3A_185 : vector<16xf32>
      %mul3A_187 = arith.mulf %sub3A_186, %sub3A_186 : vector<16xf32>
      %add3A_188 = arith.addf %scan3A_150, %mul3A_187 : vector<16xf32>
      %get3A_189 = arith.constant 1 : i32
      %get3A_190 = arith.index_cast %get3A_189 : i32 to index
      %get3A_191 = arith.index_cast %scan3A_148 : i32 to index
      %get3A_192 = arith.constant 32 : index
      %get3A_193 = tpu.vector_load %arg8[%get3A_190, %get3A_191, %get3A_192] {strides = array<i32>} : memref<4x64x128xf32, #tpu.memory_space<vmem>>, vector<1x1x16xf32>,
      %get3A_194 = vector.shape_cast %get3A_193 : vector<1x1x16xf32> to vector<16xf32>
      %mul3A_195 = arith.constant 2 : i32
      %mul3A_196 = arith.muli %mul3A_195, %scan3A_148 : i32
      %add3A_197 = arith.constant 0 : i32
      %add3A_198 = arith.addi %mul3A_196, %add3A_197 : i32
      %get3A_199 = arith.constant 1 : i32
      %get3A_200 = arith.index_cast %get3A_199 : i32 to index
      %get3A_201 = arith.index_cast %add3A_198 : i32 to index
      %get3A_202 = arith.constant 32 : index
      %get3A_203 = tpu.vector_load %arg7[%get3A_200, %get3A_201, %get3A_202] {strides = array<i32>} : memref<4x128x128xf32, #tpu.memory_space<vmem>>, vector<1x1x16xf32>,
      %get3A_204 = vector.shape_cast %get3A_203 : vector<1x1x16xf32> to vector<16xf32>
      %sub3A_205 = arith.subf %get3A_194, %get3A_204 : vector<16xf32>
      %mul3A_206 = arith.mulf %sub3A_205, %sub3A_205 : vector<16xf32>
      %add3A_207 = arith.addf %scan3A_151, %mul3A_206 : vector<16xf32>
      %get3A_208 = arith.constant 1 : i32
      %get3A_209 = arith.index_cast %get3A_208 : i32 to index
      %get3A_210 = arith.index_cast %scan3A_148 : i32 to index
      %get3A_211 = arith.constant 48 : index
      %get3A_212 = tpu.vector_load %arg8[%get3A_209, %get3A_210, %get3A_211] {strides = array<i32>} : memref<4x64x128xf32, #tpu.memory_space<vmem>>, vector<1x1x16xf32>,
      %get3A_213 = vector.shape_cast %get3A_212 : vector<1x1x16xf32> to vector<16xf32>
      %mul3A_214 = arith.constant 2 : i32
      %mul3A_215 = arith.muli %mul3A_214, %scan3A_148 : i32
      %add3A_216 = arith.constant 0 : i32
      %add3A_217 = arith.addi %mul3A_215, %add3A_216 : i32
      %get3A_218 = arith.constant 1 : i32
      %get3A_219 = arith.index_cast %get3A_218 : i32 to index
      %get3A_220 = arith.index_cast %add3A_217 : i32 to index
      %get3A_221 = arith.constant 48 : index
      %get3A_222 = tpu.vector_load %arg7[%get3A_219, %get3A_220, %get3A_221] {strides = array<i32>} : memref<4x128x128xf32, #tpu.memory_space<vmem>>, vector<1x1x16xf32>,
      %get3A_223 = vector.shape_cast %get3A_222 : vector<1x1x16xf32> to vector<16xf32>
      %sub3A_224 = arith.subf %get3A_213, %get3A_223 : vector<16xf32>
      %mul3A_225 = arith.mulf %sub3A_224, %sub3A_224 : vector<16xf32>
      %add3A_226 = arith.addf %scan3A_152, %mul3A_225 : vector<16xf32>
      %get3A_227 = arith.constant 1 : i32
      %get3A_228 = arith.index_cast %get3A_227 : i32 to index
      %get3A_229 = arith.index_cast %scan3A_148 : i32 to index
      %get3A_230 = arith.constant 64 : index
      %get3A_231 = tpu.vector_load %arg8[%get3A_228, %get3A_229, %get3A_230] {strides = array<i32>} : memref<4x64x128xf32, #tpu.memory_space<vmem>>, vector<1x1x16xf32>,
      %get3A_232 = vector.shape_cast %get3A_231 : vector<1x1x16xf32> to vector<16xf32>
      %mul3A_233 = arith.constant 2 : i32
      %mul3A_234 = arith.muli %mul3A_233, %scan3A_148 : i32
      %add3A_235 = arith.constant 1 : i32
      %add3A_236 = arith.addi %mul3A_234, %add3A_235 : i32
      %get3A_237 = arith.constant 1 : i32
      %get3A_238 = arith.index_cast %get3A_237 : i32 to index
      %get3A_239 = arith.index_cast %add3A_236 : i32 to index
      %get3A_240 = arith.constant 0 : index
      %get3A_241 = tpu.vector_load %arg7[%get3A_238, %get3A_239, %get3A_240] {strides = array<i32>} : memref<4x128x128xf32, #tpu.memory_space<vmem>>, vector<1x1x16xf32>,
      %get3A_242 = vector.shape_cast %get3A_241 : vector<1x1x16xf32> to vector<16xf32>
      %sub3A_243 = arith.subf %get3A_232, %get3A_242 : vector<16xf32>
      %mul3A_244 = arith.mulf %sub3A_243, %sub3A_243 : vector<16xf32>
      %add3A_245 = arith.addf %add3A_169, %mul3A_244 : vector<16xf32>
      %get3A_246 = arith.constant 1 : i32
      %get3A_247 = arith.index_cast %get3A_246 : i32 to index
      %get3A_248 = arith.index_cast %scan3A_148 : i32 to index
      %get3A_249 = arith.constant 80 : index
      %get3A_250 = tpu.vector_load %arg8[%get3A_247, %get3A_248, %get3A_249] {strides = array<i32>} : memref<4x64x128xf32, #tpu.memory_space<vmem>>, vector<1x1x16xf32>,
      %get3A_251 = vector.shape_cast %get3A_250 : vector<1x1x16xf32> to vector<16xf32>
      %mul3A_252 = arith.constant 2 : i32
      %mul3A_253 = arith.muli %mul3A_252, %scan3A_148 : i32
      %add3A_254 = arith.constant 1 : i32
      %add3A_255 = arith.addi %mul3A_253, %add3A_254 : i32
      %get3A_256 = arith.constant 1 : i32
      %get3A_257 = arith.index_cast %get3A_256 : i32 to index
      %get3A_258 = arith.index_cast %add3A_255 : i32 to index
      %get3A_259 = arith.constant 16 : index
      %get3A_260 = tpu.vector_load %arg7[%get3A_257, %get3A_258, %get3A_259] {strides = array<i32>} : memref<4x128x128xf32, #tpu.memory_space<vmem>>, vector<1x1x16xf32>,
      %get3A_261 = vector.shape_cast %get3A_260 : vector<1x1x16xf32> to vector<16xf32>
      %sub3A_262 = arith.subf %get3A_251, %get3A_261 : vector<16xf32>
      %mul3A_263 = arith.mulf %sub3A_262, %sub3A_262 : vector<16xf32>
      %add3A_264 = arith.addf %add3A_188, %mul3A_263 : vector<16xf32>
      %get3A_265 = arith.constant 1 : i32
      %get3A_266 = arith.index_cast %get3A_265 : i32 to index
      %get3A_267 = arith.index_cast %scan3A_148 : i32 to index
      %get3A_268 = arith.constant 96 : index
      %get3A_269 = tpu.vector_load %arg8[%get3A_266, %get3A_267, %get3A_268] {strides = array<i32>} : memref<4x64x128xf32, #tpu.memory_space<vmem>>, vector<1x1x16xf32>,
      %get3A_270 = vector.shape_cast %get3A_269 : vector<1x1x16xf32> to vector<16xf32>
      %mul3A_271 = arith.constant 2 : i32
      %mul3A_272 = arith.muli %mul3A_271, %scan3A_148 : i32
      %add3A_273 = arith.constant 1 : i32
      %add3A_274 = arith.addi %mul3A_272, %add3A_273 : i32
      %get3A_275 = arith.constant 1 : i32
      %get3A_276 = arith.index_cast %get3A_275 : i32 to index
      %get3A_277 = arith.index_cast %add3A_274 : i32 to index
      %get3A_278 = arith.constant 32 : index
      %get3A_279 = tpu.vector_load %arg7[%get3A_276, %get3A_277, %get3A_278] {strides = array<i32>} : memref<4x128x128xf32, #tpu.memory_space<vmem>>, vector<1x1x16xf32>,
      %get3A_280 = vector.shape_cast %get3A_279 : vector<1x1x16xf32> to vector<16xf32>
      %sub3A_281 = arith.subf %get3A_270, %get3A_280 : vector<16xf32>
      %mul3A_282 = arith.mulf %sub3A_281, %sub3A_281 : vector<16xf32>
      %add3A_283 = arith.addf %add3A_207, %mul3A_282 : vector<16xf32>
      %get3A_284 = arith.constant 1 : i32
      %get3A_285 = arith.index_cast %get3A_284 : i32 to index
      %get3A_286 = arith.index_cast %scan3A_148 : i32 to index
      %get3A_287 = arith.constant 112 : index
      %get3A_288 = tpu.vector_load %arg8[%get3A_285, %get3A_286, %get3A_287] {strides = array<i32>} : memref<4x64x128xf32, #tpu.memory_space<vmem>>, vector<1x1x16xf32>,
      %get3A_289 = vector.shape_cast %get3A_288 : vector<1x1x16xf32> to vector<16xf32>
      %mul3A_290 = arith.constant 2 : i32
      %mul3A_291 = arith.muli %mul3A_290, %scan3A_148 : i32
      %add3A_292 = arith.constant 1 : i32
      %add3A_293 = arith.addi %mul3A_291, %add3A_292 : i32
      %get3A_294 = arith.constant 1 : i32
      %get3A_295 = arith.index_cast %get3A_294 : i32 to index
      %get3A_296 = arith.index_cast %add3A_293 : i32 to index
      %get3A_297 = arith.constant 48 : index
      %get3A_298 = tpu.vector_load %arg7[%get3A_295, %get3A_296, %get3A_297] {strides = array<i32>} : memref<4x128x128xf32, #tpu.memory_space<vmem>>, vector<1x1x16xf32>,
      %get3A_299 = vector.shape_cast %get3A_298 : vector<1x1x16xf32> to vector<16xf32>
      %sub3A_300 = arith.subf %get3A_289, %get3A_299 : vector<16xf32>
      %mul3A_301 = arith.mulf %sub3A_300, %sub3A_300 : vector<16xf32>
      %add3A_302 = arith.addf %add3A_226, %mul3A_301 : vector<16xf32>
      scf.yield %add3A_245, %add3A_264, %add3A_283, %add3A_302 : vector<16xf32>, vector<16xf32>, vector<16xf32>, vector<16xf32>
    }
    %scan3A_126 = arith.constant 64 : i32
    %scan3A_127 = arith.constant 0 : i32
    %scan3A_128 = arith.constant 64 : i32
    %scan3A_129 = arith.addi %scan3A_127, %scan3A_128 : i32
    %scan3A_130 = arith.constant 1 : i32
    %scan3A_131:4 = scf.for %scan3A_148 = %scan3A_127 to %scan3A_129 step %scan3A_130 iter_args(%scan3A_149 = %scan3A_125#0, %scan3A_150 = %scan3A_125#1, %scan3A_151 = %scan3A_125#2, %scan3A_152 = %scan3A_125#3) -> (vector<16xf32>, vector<16xf32>, vector<16xf32>, vector<16xf32>)  : i32 {
      %get3A = arith.constant 2 : i32
      %get3A_153 = arith.index_cast %get3A : i32 to index
      %get3A_154 = arith.index_cast %scan3A_148 : i32 to index
      %get3A_155 = arith.constant 0 : index
      %get3A_156 = tpu.vector_load %arg8[%get3A_153, %get3A_154, %get3A_155] {strides = array<i32>} : memref<4x64x128xf32, #tpu.memory_space<vmem>>, vector<1x1x16xf32>,
      %get3A_157 = vector.shape_cast %get3A_156 : vector<1x1x16xf32> to vector<16xf32>
      %mul3A_158 = arith.constant 2 : i32
      %mul3A_159 = arith.muli %mul3A_158, %scan3A_148 : i32
      %add3A_160 = arith.constant 0 : i32
      %add3A_161 = arith.addi %mul3A_159, %add3A_160 : i32
      %get3A_162 = arith.constant 2 : i32
      %get3A_163 = arith.index_cast %get3A_162 : i32 to index
      %get3A_164 = arith.index_cast %add3A_161 : i32 to index
      %get3A_165 = arith.constant 0 : index
      %get3A_166 = tpu.vector_load %arg7[%get3A_163, %get3A_164, %get3A_165] {strides = array<i32>} : memref<4x128x128xf32, #tpu.memory_space<vmem>>, vector<1x1x16xf32>,
      %get3A_167 = vector.shape_cast %get3A_166 : vector<1x1x16xf32> to vector<16xf32>
      %sub3A = arith.subf %get3A_157, %get3A_167 : vector<16xf32>
      %mul3A_168 = arith.mulf %sub3A, %sub3A : vector<16xf32>
      %add3A_169 = arith.addf %scan3A_149, %mul3A_168 : vector<16xf32>
      %get3A_170 = arith.constant 2 : i32
      %get3A_171 = arith.index_cast %get3A_170 : i32 to index
      %get3A_172 = arith.index_cast %scan3A_148 : i32 to index
      %get3A_173 = arith.constant 16 : index
      %get3A_174 = tpu.vector_load %arg8[%get3A_171, %get3A_172, %get3A_173] {strides = array<i32>} : memref<4x64x128xf32, #tpu.memory_space<vmem>>, vector<1x1x16xf32>,
      %get3A_175 = vector.shape_cast %get3A_174 : vector<1x1x16xf32> to vector<16xf32>
      %mul3A_176 = arith.constant 2 : i32
      %mul3A_177 = arith.muli %mul3A_176, %scan3A_148 : i32
      %add3A_178 = arith.constant 0 : i32
      %add3A_179 = arith.addi %mul3A_177, %add3A_178 : i32
      %get3A_180 = arith.constant 2 : i32
      %get3A_181 = arith.index_cast %get3A_180 : i32 to index
      %get3A_182 = arith.index_cast %add3A_179 : i32 to index
      %get3A_183 = arith.constant 16 : index
      %get3A_184 = tpu.vector_load %arg7[%get3A_181, %get3A_182, %get3A_183] {strides = array<i32>} : memref<4x128x128xf32, #tpu.memory_space<vmem>>, vector<1x1x16xf32>,
      %get3A_185 = vector.shape_cast %get3A_184 : vector<1x1x16xf32> to vector<16xf32>
      %sub3A_186 = arith.subf %get3A_175, %get3A_185 : vector<16xf32>
      %mul3A_187 = arith.mulf %sub3A_186, %sub3A_186 : vector<16xf32>
      %add3A_188 = arith.addf %scan3A_150, %mul3A_187 : vector<16xf32>
      %get3A_189 = arith.constant 2 : i32
      %get3A_190 = arith.index_cast %get3A_189 : i32 to index
      %get3A_191 = arith.index_cast %scan3A_148 : i32 to index
      %get3A_192 = arith.constant 32 : index
      %get3A_193 = tpu.vector_load %arg8[%get3A_190, %get3A_191, %get3A_192] {strides = array<i32>} : memref<4x64x128xf32, #tpu.memory_space<vmem>>, vector<1x1x16xf32>,
      %get3A_194 = vector.shape_cast %get3A_193 : vector<1x1x16xf32> to vector<16xf32>
      %mul3A_195 = arith.constant 2 : i32
      %mul3A_196 = arith.muli %mul3A_195, %scan3A_148 : i32
      %add3A_197 = arith.constant 0 : i32
      %add3A_198 = arith.addi %mul3A_196, %add3A_197 : i32
      %get3A_199 = arith.constant 2 : i32
      %get3A_200 = arith.index_cast %get3A_199 : i32 to index
      %get3A_201 = arith.index_cast %add3A_198 : i32 to index
      %get3A_202 = arith.constant 32 : index
      %get3A_203 = tpu.vector_load %arg7[%get3A_200, %get3A_201, %get3A_202] {strides = array<i32>} : memref<4x128x128xf32, #tpu.memory_space<vmem>>, vector<1x1x16xf32>,
      %get3A_204 = vector.shape_cast %get3A_203 : vector<1x1x16xf32> to vector<16xf32>
      %sub3A_205 = arith.subf %get3A_194, %get3A_204 : vector<16xf32>
      %mul3A_206 = arith.mulf %sub3A_205, %sub3A_205 : vector<16xf32>
      %add3A_207 = arith.addf %scan3A_151, %mul3A_206 : vector<16xf32>
      %get3A_208 = arith.constant 2 : i32
      %get3A_209 = arith.index_cast %get3A_208 : i32 to index
      %get3A_210 = arith.index_cast %scan3A_148 : i32 to index
      %get3A_211 = arith.constant 48 : index
      %get3A_212 = tpu.vector_load %arg8[%get3A_209, %get3A_210, %get3A_211] {strides = array<i32>} : memref<4x64x128xf32, #tpu.memory_space<vmem>>, vector<1x1x16xf32>,
      %get3A_213 = vector.shape_cast %get3A_212 : vector<1x1x16xf32> to vector<16xf32>
      %mul3A_214 = arith.constant 2 : i32
      %mul3A_215 = arith.muli %mul3A_214, %scan3A_148 : i32
      %add3A_216 = arith.constant 0 : i32
      %add3A_217 = arith.addi %mul3A_215, %add3A_216 : i32
      %get3A_218 = arith.constant 2 : i32
      %get3A_219 = arith.index_cast %get3A_218 : i32 to index
      %get3A_220 = arith.index_cast %add3A_217 : i32 to index
      %get3A_221 = arith.constant 48 : index
      %get3A_222 = tpu.vector_load %arg7[%get3A_219, %get3A_220, %get3A_221] {strides = array<i32>} : memref<4x128x128xf32, #tpu.memory_space<vmem>>, vector<1x1x16xf32>,
      %get3A_223 = vector.shape_cast %get3A_222 : vector<1x1x16xf32> to vector<16xf32>
      %sub3A_224 = arith.subf %get3A_213, %get3A_223 : vector<16xf32>
      %mul3A_225 = arith.mulf %sub3A_224, %sub3A_224 : vector<16xf32>
      %add3A_226 = arith.addf %scan3A_152, %mul3A_225 : vector<16xf32>
      %get3A_227 = arith.constant 2 : i32
      %get3A_228 = arith.index_cast %get3A_227 : i32 to index
      %get3A_229 = arith.index_cast %scan3A_148 : i32 to index
      %get3A_230 = arith.constant 64 : index
      %get3A_231 = tpu.vector_load %arg8[%get3A_228, %get3A_229, %get3A_230] {strides = array<i32>} : memref<4x64x128xf32, #tpu.memory_space<vmem>>, vector<1x1x16xf32>,
      %get3A_232 = vector.shape_cast %get3A_231 : vector<1x1x16xf32> to vector<16xf32>
      %mul3A_233 = arith.constant 2 : i32
      %mul3A_234 = arith.muli %mul3A_233, %scan3A_148 : i32
      %add3A_235 = arith.constant 1 : i32
      %add3A_236 = arith.addi %mul3A_234, %add3A_235 : i32
      %get3A_237 = arith.constant 2 : i32
      %get3A_238 = arith.index_cast %get3A_237 : i32 to index
      %get3A_239 = arith.index_cast %add3A_236 : i32 to index
      %get3A_240 = arith.constant 0 : index
      %get3A_241 = tpu.vector_load %arg7[%get3A_238, %get3A_239, %get3A_240] {strides = array<i32>} : memref<4x128x128xf32, #tpu.memory_space<vmem>>, vector<1x1x16xf32>,
      %get3A_242 = vector.shape_cast %get3A_241 : vector<1x1x16xf32> to vector<16xf32>
      %sub3A_243 = arith.subf %get3A_232, %get3A_242 : vector<16xf32>
      %mul3A_244 = arith.mulf %sub3A_243, %sub3A_243 : vector<16xf32>
      %add3A_245 = arith.addf %add3A_169, %mul3A_244 : vector<16xf32>
      %get3A_246 = arith.constant 2 : i32
      %get3A_247 = arith.index_cast %get3A_246 : i32 to index
      %get3A_248 = arith.index_cast %scan3A_148 : i32 to index
      %get3A_249 = arith.constant 80 : index
      %get3A_250 = tpu.vector_load %arg8[%get3A_247, %get3A_248, %get3A_249] {strides = array<i32>} : memref<4x64x128xf32, #tpu.memory_space<vmem>>, vector<1x1x16xf32>,
      %get3A_251 = vector.shape_cast %get3A_250 : vector<1x1x16xf32> to vector<16xf32>
      %mul3A_252 = arith.constant 2 : i32
      %mul3A_253 = arith.muli %mul3A_252, %scan3A_148 : i32
      %add3A_254 = arith.constant 1 : i32
      %add3A_255 = arith.addi %mul3A_253, %add3A_254 : i32
      %get3A_256 = arith.constant 2 : i32
      %get3A_257 = arith.index_cast %get3A_256 : i32 to index
      %get3A_258 = arith.index_cast %add3A_255 : i32 to index
      %get3A_259 = arith.constant 16 : index
      %get3A_260 = tpu.vector_load %arg7[%get3A_257, %get3A_258, %get3A_259] {strides = array<i32>} : memref<4x128x128xf32, #tpu.memory_space<vmem>>, vector<1x1x16xf32>,
      %get3A_261 = vector.shape_cast %get3A_260 : vector<1x1x16xf32> to vector<16xf32>
      %sub3A_262 = arith.subf %get3A_251, %get3A_261 : vector<16xf32>
      %mul3A_263 = arith.mulf %sub3A_262, %sub3A_262 : vector<16xf32>
      %add3A_264 = arith.addf %add3A_188, %mul3A_263 : vector<16xf32>
      %get3A_265 = arith.constant 2 : i32
      %get3A_266 = arith.index_cast %get3A_265 : i32 to index
      %get3A_267 = arith.index_cast %scan3A_148 : i32 to index
      %get3A_268 = arith.constant 96 : index
      %get3A_269 = tpu.vector_load %arg8[%get3A_266, %get3A_267, %get3A_268] {strides = array<i32>} : memref<4x64x128xf32, #tpu.memory_space<vmem>>, vector<1x1x16xf32>,
      %get3A_270 = vector.shape_cast %get3A_269 : vector<1x1x16xf32> to vector<16xf32>
      %mul3A_271 = arith.constant 2 : i32
      %mul3A_272 = arith.muli %mul3A_271, %scan3A_148 : i32
      %add3A_273 = arith.constant 1 : i32
      %add3A_274 = arith.addi %mul3A_272, %add3A_273 : i32
      %get3A_275 = arith.constant 2 : i32
      %get3A_276 = arith.index_cast %get3A_275 : i32 to index
      %get3A_277 = arith.index_cast %add3A_274 : i32 to index
      %get3A_278 = arith.constant 32 : index
      %get3A_279 = tpu.vector_load %arg7[%get3A_276, %get3A_277, %get3A_278] {strides = array<i32>} : memref<4x128x128xf32, #tpu.memory_space<vmem>>, vector<1x1x16xf32>,
      %get3A_280 = vector.shape_cast %get3A_279 : vector<1x1x16xf32> to vector<16xf32>
      %sub3A_281 = arith.subf %get3A_270, %get3A_280 : vector<16xf32>
      %mul3A_282 = arith.mulf %sub3A_281, %sub3A_281 : vector<16xf32>
      %add3A_283 = arith.addf %add3A_207, %mul3A_282 : vector<16xf32>
      %get3A_284 = arith.constant 2 : i32
      %get3A_285 = arith.index_cast %get3A_284 : i32 to index
      %get3A_286 = arith.index_cast %scan3A_148 : i32 to index
      %get3A_287 = arith.constant 112 : index
      %get3A_288 = tpu.vector_load %arg8[%get3A_285, %get3A_286, %get3A_287] {strides = array<i32>} : memref<4x64x128xf32, #tpu.memory_space<vmem>>, vector<1x1x16xf32>,
      %get3A_289 = vector.shape_cast %get3A_288 : vector<1x1x16xf32> to vector<16xf32>
      %mul3A_290 = arith.constant 2 : i32
      %mul3A_291 = arith.muli %mul3A_290, %scan3A_148 : i32
      %add3A_292 = arith.constant 1 : i32
      %add3A_293 = arith.addi %mul3A_291, %add3A_292 : i32
      %get3A_294 = arith.constant 2 : i32
      %get3A_295 = arith.index_cast %get3A_294 : i32 to index
      %get3A_296 = arith.index_cast %add3A_293 : i32 to index
      %get3A_297 = arith.constant 48 : index
      %get3A_298 = tpu.vector_load %arg7[%get3A_295, %get3A_296, %get3A_297] {strides = array<i32>} : memref<4x128x128xf32, #tpu.memory_space<vmem>>, vector<1x1x16xf32>,
      %get3A_299 = vector.shape_cast %get3A_298 : vector<1x1x16xf32> to vector<16xf32>
      %sub3A_300 = arith.subf %get3A_289, %get3A_299 : vector<16xf32>
      %mul3A_301 = arith.mulf %sub3A_300, %sub3A_300 : vector<16xf32>
      %add3A_302 = arith.addf %add3A_226, %mul3A_301 : vector<16xf32>
      scf.yield %add3A_245, %add3A_264, %add3A_283, %add3A_302 : vector<16xf32>, vector<16xf32>, vector<16xf32>, vector<16xf32>
    }
    %scan3A_132 = arith.constant 64 : i32
    %scan3A_133 = arith.constant 0 : i32
    %scan3A_134 = arith.constant 64 : i32
    %scan3A_135 = arith.addi %scan3A_133, %scan3A_134 : i32
    %scan3A_136 = arith.constant 1 : i32
    %scan3A_137:4 = scf.for %scan3A_148 = %scan3A_133 to %scan3A_135 step %scan3A_136 iter_args(%scan3A_149 = %scan3A_131#0, %scan3A_150 = %scan3A_131#1, %scan3A_151 = %scan3A_131#2, %scan3A_152 = %scan3A_131#3) -> (vector<16xf32>, vector<16xf32>, vector<16xf32>, vector<16xf32>)  : i32 {
      %get3A = arith.constant 3 : i32
      %get3A_153 = arith.index_cast %get3A : i32 to index
      %get3A_154 = arith.index_cast %scan3A_148 : i32 to index
      %get3A_155 = arith.constant 0 : index
      %get3A_156 = tpu.vector_load %arg8[%get3A_153, %get3A_154, %get3A_155] {strides = array<i32>} : memref<4x64x128xf32, #tpu.memory_space<vmem>>, vector<1x1x16xf32>,
      %get3A_157 = vector.shape_cast %get3A_156 : vector<1x1x16xf32> to vector<16xf32>
      %mul3A_158 = arith.constant 2 : i32
      %mul3A_159 = arith.muli %mul3A_158, %scan3A_148 : i32
      %add3A_160 = arith.constant 0 : i32
      %add3A_161 = arith.addi %mul3A_159, %add3A_160 : i32
      %get3A_162 = arith.constant 3 : i32
      %get3A_163 = arith.index_cast %get3A_162 : i32 to index
      %get3A_164 = arith.index_cast %add3A_161 : i32 to index
      %get3A_165 = arith.constant 0 : index
      %get3A_166 = tpu.vector_load %arg7[%get3A_163, %get3A_164, %get3A_165] {strides = array<i32>} : memref<4x128x128xf32, #tpu.memory_space<vmem>>, vector<1x1x16xf32>,
      %get3A_167 = vector.shape_cast %get3A_166 : vector<1x1x16xf32> to vector<16xf32>
      %sub3A = arith.subf %get3A_157, %get3A_167 : vector<16xf32>
      %mul3A_168 = arith.mulf %sub3A, %sub3A : vector<16xf32>
      %add3A_169 = arith.addf %scan3A_149, %mul3A_168 : vector<16xf32>
      %get3A_170 = arith.constant 3 : i32
      %get3A_171 = arith.index_cast %get3A_170 : i32 to index
      %get3A_172 = arith.index_cast %scan3A_148 : i32 to index
      %get3A_173 = arith.constant 16 : index
      %get3A_174 = tpu.vector_load %arg8[%get3A_171, %get3A_172, %get3A_173] {strides = array<i32>} : memref<4x64x128xf32, #tpu.memory_space<vmem>>, vector<1x1x16xf32>,
      %get3A_175 = vector.shape_cast %get3A_174 : vector<1x1x16xf32> to vector<16xf32>
      %mul3A_176 = arith.constant 2 : i32
      %mul3A_177 = arith.muli %mul3A_176, %scan3A_148 : i32
      %add3A_178 = arith.constant 0 : i32
      %add3A_179 = arith.addi %mul3A_177, %add3A_178 : i32
      %get3A_180 = arith.constant 3 : i32
      %get3A_181 = arith.index_cast %get3A_180 : i32 to index
      %get3A_182 = arith.index_cast %add3A_179 : i32 to index
      %get3A_183 = arith.constant 16 : index
      %get3A_184 = tpu.vector_load %arg7[%get3A_181, %get3A_182, %get3A_183] {strides = array<i32>} : memref<4x128x128xf32, #tpu.memory_space<vmem>>, vector<1x1x16xf32>,
      %get3A_185 = vector.shape_cast %get3A_184 : vector<1x1x16xf32> to vector<16xf32>
      %sub3A_186 = arith.subf %get3A_175, %get3A_185 : vector<16xf32>
      %mul3A_187 = arith.mulf %sub3A_186, %sub3A_186 : vector<16xf32>
      %add3A_188 = arith.addf %scan3A_150, %mul3A_187 : vector<16xf32>
      %get3A_189 = arith.constant 3 : i32
      %get3A_190 = arith.index_cast %get3A_189 : i32 to index
      %get3A_191 = arith.index_cast %scan3A_148 : i32 to index
      %get3A_192 = arith.constant 32 : index
      %get3A_193 = tpu.vector_load %arg8[%get3A_190, %get3A_191, %get3A_192] {strides = array<i32>} : memref<4x64x128xf32, #tpu.memory_space<vmem>>, vector<1x1x16xf32>,
      %get3A_194 = vector.shape_cast %get3A_193 : vector<1x1x16xf32> to vector<16xf32>
      %mul3A_195 = arith.constant 2 : i32
      %mul3A_196 = arith.muli %mul3A_195, %scan3A_148 : i32
      %add3A_197 = arith.constant 0 : i32
      %add3A_198 = arith.addi %mul3A_196, %add3A_197 : i32
      %get3A_199 = arith.constant 3 : i32
      %get3A_200 = arith.index_cast %get3A_199 : i32 to index
      %get3A_201 = arith.index_cast %add3A_198 : i32 to index
      %get3A_202 = arith.constant 32 : index
      %get3A_203 = tpu.vector_load %arg7[%get3A_200, %get3A_201, %get3A_202] {strides = array<i32>} : memref<4x128x128xf32, #tpu.memory_space<vmem>>, vector<1x1x16xf32>,
      %get3A_204 = vector.shape_cast %get3A_203 : vector<1x1x16xf32> to vector<16xf32>
      %sub3A_205 = arith.subf %get3A_194, %get3A_204 : vector<16xf32>
      %mul3A_206 = arith.mulf %sub3A_205, %sub3A_205 : vector<16xf32>
      %add3A_207 = arith.addf %scan3A_151, %mul3A_206 : vector<16xf32>
      %get3A_208 = arith.constant 3 : i32
      %get3A_209 = arith.index_cast %get3A_208 : i32 to index
      %get3A_210 = arith.index_cast %scan3A_148 : i32 to index
      %get3A_211 = arith.constant 48 : index
      %get3A_212 = tpu.vector_load %arg8[%get3A_209, %get3A_210, %get3A_211] {strides = array<i32>} : memref<4x64x128xf32, #tpu.memory_space<vmem>>, vector<1x1x16xf32>,
      %get3A_213 = vector.shape_cast %get3A_212 : vector<1x1x16xf32> to vector<16xf32>
      %mul3A_214 = arith.constant 2 : i32
      %mul3A_215 = arith.muli %mul3A_214, %scan3A_148 : i32
      %add3A_216 = arith.constant 0 : i32
      %add3A_217 = arith.addi %mul3A_215, %add3A_216 : i32
      %get3A_218 = arith.constant 3 : i32
      %get3A_219 = arith.index_cast %get3A_218 : i32 to index
      %get3A_220 = arith.index_cast %add3A_217 : i32 to index
      %get3A_221 = arith.constant 48 : index
      %get3A_222 = tpu.vector_load %arg7[%get3A_219, %get3A_220, %get3A_221] {strides = array<i32>} : memref<4x128x128xf32, #tpu.memory_space<vmem>>, vector<1x1x16xf32>,
      %get3A_223 = vector.shape_cast %get3A_222 : vector<1x1x16xf32> to vector<16xf32>
      %sub3A_224 = arith.subf %get3A_213, %get3A_223 : vector<16xf32>
      %mul3A_225 = arith.mulf %sub3A_224, %sub3A_224 : vector<16xf32>
      %add3A_226 = arith.addf %scan3A_152, %mul3A_225 : vector<16xf32>
      %get3A_227 = arith.constant 3 : i32
      %get3A_228 = arith.index_cast %get3A_227 : i32 to index
      %get3A_229 = arith.index_cast %scan3A_148 : i32 to index
      %get3A_230 = arith.constant 64 : index
      %get3A_231 = tpu.vector_load %arg8[%get3A_228, %get3A_229, %get3A_230] {strides = array<i32>} : memref<4x64x128xf32, #tpu.memory_space<vmem>>, vector<1x1x16xf32>,
      %get3A_232 = vector.shape_cast %get3A_231 : vector<1x1x16xf32> to vector<16xf32>
      %mul3A_233 = arith.constant 2 : i32
      %mul3A_234 = arith.muli %mul3A_233, %scan3A_148 : i32
      %add3A_235 = arith.constant 1 : i32
      %add3A_236 = arith.addi %mul3A_234, %add3A_235 : i32
      %get3A_237 = arith.constant 3 : i32
      %get3A_238 = arith.index_cast %get3A_237 : i32 to index
      %get3A_239 = arith.index_cast %add3A_236 : i32 to index
      %get3A_240 = arith.constant 0 : index
      %get3A_241 = tpu.vector_load %arg7[%get3A_238, %get3A_239, %get3A_240] {strides = array<i32>} : memref<4x128x128xf32, #tpu.memory_space<vmem>>, vector<1x1x16xf32>,
      %get3A_242 = vector.shape_cast %get3A_241 : vector<1x1x16xf32> to vector<16xf32>
      %sub3A_243 = arith.subf %get3A_232, %get3A_242 : vector<16xf32>
      %mul3A_244 = arith.mulf %sub3A_243, %sub3A_243 : vector<16xf32>
      %add3A_245 = arith.addf %add3A_169, %mul3A_244 : vector<16xf32>
      %get3A_246 = arith.constant 3 : i32
      %get3A_247 = arith.index_cast %get3A_246 : i32 to index
      %get3A_248 = arith.index_cast %scan3A_148 : i32 to index
      %get3A_249 = arith.constant 80 : index
      %get3A_250 = tpu.vector_load %arg8[%get3A_247, %get3A_248, %get3A_249] {strides = array<i32>} : memref<4x64x128xf32, #tpu.memory_space<vmem>>, vector<1x1x16xf32>,
      %get3A_251 = vector.shape_cast %get3A_250 : vector<1x1x16xf32> to vector<16xf32>
      %mul3A_252 = arith.constant 2 : i32
      %mul3A_253 = arith.muli %mul3A_252, %scan3A_148 : i32
      %add3A_254 = arith.constant 1 : i32
      %add3A_255 = arith.addi %mul3A_253, %add3A_254 : i32
      %get3A_256 = arith.constant 3 : i32
      %get3A_257 = arith.index_cast %get3A_256 : i32 to index
      %get3A_258 = arith.index_cast %add3A_255 : i32 to index
      %get3A_259 = arith.constant 16 : index
      %get3A_260 = tpu.vector_load %arg7[%get3A_257, %get3A_258, %get3A_259] {strides = array<i32>} : memref<4x128x128xf32, #tpu.memory_space<vmem>>, vector<1x1x16xf32>,
      %get3A_261 = vector.shape_cast %get3A_260 : vector<1x1x16xf32> to vector<16xf32>
      %sub3A_262 = arith.subf %get3A_251, %get3A_261 : vector<16xf32>
      %mul3A_263 = arith.mulf %sub3A_262, %sub3A_262 : vector<16xf32>
      %add3A_264 = arith.addf %add3A_188, %mul3A_263 : vector<16xf32>
      %get3A_265 = arith.constant 3 : i32
      %get3A_266 = arith.index_cast %get3A_265 : i32 to index
      %get3A_267 = arith.index_cast %scan3A_148 : i32 to index
      %get3A_268 = arith.constant 96 : index
      %get3A_269 = tpu.vector_load %arg8[%get3A_266, %get3A_267, %get3A_268] {strides = array<i32>} : memref<4x64x128xf32, #tpu.memory_space<vmem>>, vector<1x1x16xf32>,
      %get3A_270 = vector.shape_cast %get3A_269 : vector<1x1x16xf32> to vector<16xf32>
      %mul3A_271 = arith.constant 2 : i32
      %mul3A_272 = arith.muli %mul3A_271, %scan3A_148 : i32
      %add3A_273 = arith.constant 1 : i32
      %add3A_274 = arith.addi %mul3A_272, %add3A_273 : i32
      %get3A_275 = arith.constant 3 : i32
      %get3A_276 = arith.index_cast %get3A_275 : i32 to index
      %get3A_277 = arith.index_cast %add3A_274 : i32 to index
      %get3A_278 = arith.constant 32 : index
      %get3A_279 = tpu.vector_load %arg7[%get3A_276, %get3A_277, %get3A_278] {strides = array<i32>} : memref<4x128x128xf32, #tpu.memory_space<vmem>>, vector<1x1x16xf32>,
      %get3A_280 = vector.shape_cast %get3A_279 : vector<1x1x16xf32> to vector<16xf32>
      %sub3A_281 = arith.subf %get3A_270, %get3A_280 : vector<16xf32>
      %mul3A_282 = arith.mulf %sub3A_281, %sub3A_281 : vector<16xf32>
      %add3A_283 = arith.addf %add3A_207, %mul3A_282 : vector<16xf32>
      %get3A_284 = arith.constant 3 : i32
      %get3A_285 = arith.index_cast %get3A_284 : i32 to index
      %get3A_286 = arith.index_cast %scan3A_148 : i32 to index
      %get3A_287 = arith.constant 112 : index
      %get3A_288 = tpu.vector_load %arg8[%get3A_285, %get3A_286, %get3A_287] {strides = array<i32>} : memref<4x64x128xf32, #tpu.memory_space<vmem>>, vector<1x1x16xf32>,
      %get3A_289 = vector.shape_cast %get3A_288 : vector<1x1x16xf32> to vector<16xf32>
      %mul3A_290 = arith.constant 2 : i32
      %mul3A_291 = arith.muli %mul3A_290, %scan3A_148 : i32
      %add3A_292 = arith.constant 1 : i32
      %add3A_293 = arith.addi %mul3A_291, %add3A_292 : i32
      %get3A_294 = arith.constant 3 : i32
      %get3A_295 = arith.index_cast %get3A_294 : i32 to index
      %get3A_296 = arith.index_cast %add3A_293 : i32 to index
      %get3A_297 = arith.constant 48 : index
      %get3A_298 = tpu.vector_load %arg7[%get3A_295, %get3A_296, %get3A_297] {strides = array<i32>} : memref<4x128x128xf32, #tpu.memory_space<vmem>>, vector<1x1x16xf32>,
      %get3A_299 = vector.shape_cast %get3A_298 : vector<1x1x16xf32> to vector<16xf32>
      %sub3A_300 = arith.subf %get3A_289, %get3A_299 : vector<16xf32>
      %mul3A_301 = arith.mulf %sub3A_300, %sub3A_300 : vector<16xf32>
      %add3A_302 = arith.addf %add3A_226, %mul3A_301 : vector<16xf32>
      scf.yield %add3A_245, %add3A_264, %add3A_283, %add3A_302 : vector<16xf32>, vector<16xf32>, vector<16xf32>, vector<16xf32>
    }
    %scan3A_138 = arith.constant 64 : i32
    %add3A_139 = arith.addf %scan3A_137#0, %scan3A_137#1 : vector<16xf32>
    %add3A_140 = arith.addf %add3A_139, %scan3A_137#2 : vector<16xf32>
    %add3A_141 = arith.addf %add3A_140, %scan3A_137#3 : vector<16xf32>
    %mul3A_142 = arith.constant 6.10351563E-5 : f32
    %mul3A_143 = vector.broadcast %mul3A_142 : f32 to vector<16xf32>
    %mul3A_144 = arith.mulf %add3A_141, %mul3A_143 : vector<16xf32>
    %swap3A = arith.constant 0 : index
    %swap3A_145 = tpu.vector_load %arg9[%swap3A] {strides = array<i32>} : memref<16xf32, #tpu.memory_space<vmem>>, vector<16xf32>,
    %swap3A_146 = vector.shape_cast %swap3A_145 : vector<16xf32> to vector<16xf32>
    %swap3A_147 = vector.shape_cast %mul3A_144 : vector<16xf32> to vector<16xf32>
    tpu.vector_store %arg9[%swap3A], %swap3A_147 {strides = array<i32>} : memref<16xf32, #tpu.memory_space<vmem>>, vector<16xf32>,
    "tpu.region"() ({
      %run_scoped3A = tpu.sem_alloc : memref<!tpu.dma_semaphore, #tpu.memory_space<semaphore_mem>>
      %dma_start3A_148 = arith.constant 0 : i32
      %dma_start3A_149 = tpu.memref_slice %arg5[%add3A, %dma_start3A_148] : memref<32x16xf32, #tpu.memory_space<hbm>> -> memref<1x16xf32, #tpu.memory_space<hbm>>
      %dma_start3A_150 = tpu.memref_squeeze %dma_start3A_149 : memref<1x16xf32, #tpu.memory_space<hbm>> -> memref<16xf32, #tpu.memory_space<hbm>>
      %dma_start3A_151 = arith.constant 0 : i32
      %dma_start3A_152 = tpu.memref_slice %arg5[%add3A, %dma_start3A_151] : memref<32x16xf32, #tpu.memory_space<hbm>> -> memref<1x16xf32, #tpu.memory_space<hbm>>
      %dma_start3A_153 = tpu.memref_squeeze %dma_start3A_152 : memref<1x16xf32, #tpu.memory_space<hbm>> -> memref<16xf32, #tpu.memory_space<hbm>>
      tpu.enqueue_dma source(%arg9 : memref<16xf32, #tpu.memory_space<vmem>>) target(%dma_start3A_153 : memref<16xf32, #tpu.memory_space<hbm>>) target_semaphore(%run_scoped3A : memref<!tpu.dma_semaphore, #tpu.memory_space<semaphore_mem>>)
      %dma_wait3A_154 = arith.constant 0 : i32
      %dma_wait3A_155 = tpu.memref_slice %arg5[%add3A, %dma_wait3A_154] : memref<32x16xf32, #tpu.memory_space<hbm>> -> memref<1x16xf32, #tpu.memory_space<hbm>>
      %dma_wait3A_156 = tpu.memref_squeeze %dma_wait3A_155 : memref<1x16xf32, #tpu.memory_space<hbm>> -> memref<16xf32, #tpu.memory_space<hbm>>
      %dma_wait3A_157 = arith.constant 0 : i32
      %dma_wait3A_158 = tpu.memref_slice %arg5[%add3A, %dma_wait3A_157] : memref<32x16xf32, #tpu.memory_space<hbm>> -> memref<1x16xf32, #tpu.memory_space<hbm>>
      %dma_wait3A_159 = tpu.memref_squeeze %dma_wait3A_158 : memref<1x16xf32, #tpu.memory_space<hbm>> -> memref<16xf32, #tpu.memory_space<hbm>>
      tpu.wait_dma2 semaphore(%run_scoped3A : memref<!tpu.dma_semaphore, #tpu.memory_space<semaphore_mem>>) src(%arg9 : memref<16xf32, #tpu.memory_space<vmem>>) dst(%dma_wait3A_159 : memref<16xf32, #tpu.memory_space<hbm>>)
      tpu.yield
    }) : () -> ()
    return
  }
}

</mosaic_0001>

<sc_bundles>
// kernel: kernel.3.cloned.1.call-start
scs
__scs_entry_jumppad:
0x0: {  	(pc) =	sbr.rel $0x88, $3  }
0x1: {  	(tag) =	ssettag $0x0;
	lr =	simm.s32 $0x1  }
0x2: {  	[smem:$0x3F9E] =	sst lr;
	_ =	strace $0xD0000000  }
0x3: {  	_ = 	snop  }
0x4: {  	_ = 	snop  }
0x5: {  	_ = 	snop  }
0x6: {  	_ = 	snop  }
0x7: {  	_ = 	snop  }
__scs_overlays_trampoline_lowered:
0x8: {  	[smem:$0x3FAD] =	sst s0  }
0x9: {  	[smem:$0x3FAE] =	sst s1  }
0xa: {  	[smem:$0x3FAF] =	sst s2  }
0xb: {  	[smem:$0x3FB0] =	sst s3  }
0xc: {  	[smem:$0x3FB1] =	sst s4  }
0xd: {  	[smem:$0x3FB2] =	sst s5  }
0xe: {  	[smem:$0x3FB3] =	sst s6  }
0xf: {  	[smem:$0x3FB4] =	sst s7  }
0x10: {  	[smem:$0x3FB5] =	sst s8  }
0x11: {  	[smem:$0x3FB6] =	sst s9;
	s0 =	simm.s32 @!p0 $0x0  }
0x12: {  	s1 =	sld [smem:$0x3F9C];
	s0 =	simm.s32 @p0 $0x1  }
0x13: {  	[smem:$0x3FB7] =	sst s0;
	s0 =	simm.s32 @!p1 $0x0  }
0x14: {  	s2 =	sld [smem:$0x3F9B];
	s0 =	simm.s32 @p1 $0x1  }
0x15: {  	[smem:$0x3FB8] =	sst s0;
	s0 =	simm.s32 @!p2 $0x0  }
0x16: {  	s3 =	sld [smem:$0x3FDB];
	s0 =	simm.s32 @p2 $0x1  }
0x17: {  	s4 =	simm.s32 $0x1BF5;
	[smem:$0x3FBA] =	sst s0  }
0x18: {  	s0 =	sld [smem:$0x3F9D];
	_ =	swait.ge [sflag:s4], $0x0  }
0x19: {  	s7 =	sld [smem:$0x3F9E]  }
0x1a: {  	s8 =	sadd.s32 $0xFFFFE003, lr  }
0x1b: {  	s9 =	sadd.s32 $0xFFFFFEF7, lr;
	s5 =	simm.s32 $0xFFFFFFFF;
	p2 =	slt.u32 s8, $0xFFFFF086  }
0x1c: {  	p1 =	slt.u32 s9, $0xF7A;
	s5 =	simm.s32 @!p2 $0x0  }
0x1d: {  	s5 =	simm.s32 @p1 $0x1;
	p0 =	seq.s32 s7, s2  }
0x1e: {  	s7 =	smul.u32 @!p0 $0xF7A, s2;
	p2 =	seq.s32 @!p0 s5, $0x0  }
0x1f: {  	s9 =	smul.u32 $0xF7A, s1;
	s8 =	simm.s32 @!p0 $0x1BF5;
	p2 =	por !p2, p0  }
0x20: {  	[sflag:s8] =	ssyncset.s32 @!p0 $0xFFFFF086;
	s6 =	sadd.s32 @!p0 s3, s7;
	s7 =	simm.s32 @!p0 $0x108  }
0x21: {  	s3 =	sadd.s32 s3, s9;
	s6 =	sadd.s32 @!p0 $0x88, s6;
	s7 =	simm.s32 @p2 $0x1082  }
0x22: {  	[simem:s7], [sflag:s8] =	dma.local @!p0 [hbm:s6], $0xF7A  }
0x23: {  	s9 =	sor.u32 $0xD0000000, s2;
	s6 =	simm.s32 $0x108;
	_ =	swait.ge @!p0 [sflag:s8], $0x0  }
0x24: {  	s3 =	sadd.s32 $0x88, s3;
	s6 =	simm.s32 @!p1 $0x1082;
	[sflag:s4] =	ssyncset.s32 $0xFFFFF086  }
0x25: {  	[simem:s6], [sflag:s4] =	dma.local [hbm:s3], $0xF7A  }
0x26: {  	[smem:$0x3F9E] =	sst s1;
	(tag) =	ssettag s2;
	_ =	strace s9  }
0x27: {  	s1 =	sld [smem:$0x3FAE]  }
0x28: {  	s2 =	sld [smem:$0x3FAF]  }
0x29: {  	s4 =	sld [smem:$0x3FB1]  }
0x2a: {  	p0 =	seq.s32 s5, $0x0;
	s5 =	sld [smem:$0x3FB2]  }
0x2b: {  	s6 =	sld [smem:$0x3FB3]  }
0x2c: {  	s7 =	sld [smem:$0x3FB4]  }
0x2d: {  	s3 =	simm.s32 $0x108;
	s8 =	sld [smem:$0x3FB5]  }
0x2e: {  	s3 =	simm.s32 @!p0 $0x1082;
	s9 =	sld [smem:$0x3FB6]  }
0x2f: {  	lr =	sadd.s32 s0, s3;
	s0 =	sld [smem:$0x3FAD]  }
0x30: {  	s3 =	sld [smem:$0x3FB0]  }
0x31: {  	[smem:$0x3FB9] =	sst s10  }
0x32: {  	s10 =	sld [smem:$0x3FB7];
	_ =	sdelay $0x3  }
0x33: {  	p0 =	seq.s32 s10, $0x1;
	s10 =	sld [smem:$0x3FB9];
	_ =	sdelay $0x3  }
0x34: {  	[smem:$0x3FB9] =	sst s10  }
0x35: {  	s10 =	sld [smem:$0x3FB8];
	_ =	sdelay $0x3  }
0x36: {  	p1 =	seq.s32 s10, $0x1;
	s10 =	sld [smem:$0x3FB9];
	_ =	sdelay $0x3  }
0x37: {  	[smem:$0x3FB9] =	sst s10  }
0x38: {  	s10 =	sld [smem:$0x3FBA]  }
0x39: {  	_ = 	snop;
	(pc) =	sbr.ind lr, $3  }
0x3a: {  	_ = 	snop  }
0x3b: {  	_ = 	snop  }
0x3c: {  	p2 =	seq.s32 s10, $0x1;
	s10 =	sld [smem:$0x3FB9]  }
0x3d: {  	_ =	shalt  }
0x3e: {  	_ =	shalt  }
0x3f: {  	_ =	shalt  }
0x40: {  	_ =	shalt  }
0x41: {  	_ =	shalt  }
0x42: {  	_ =	shalt  }
0x43: {  	_ =	shalt  }
0x44: {  	_ =	shalt  }
0x45: {  	_ =	shalt  }
0x46: {  	_ =	shalt  }
0x47: {  	_ =	shalt  }
0x48: {  	_ =	shalt  }
0x49: {  	_ =	shalt  }
0x4a: {  	_ =	shalt  }
0x4b: {  	_ =	shalt  }
0x4c: {  	_ =	shalt  }
0x4d: {  	_ =	shalt  }
0x4e: {  	_ =	shalt  }
0x4f: {  	_ =	shalt  }
0x50: {  	_ =	shalt  }
0x51: {  	_ =	shalt  }
0x52: {  	_ =	shalt  }
0x53: {  	_ =	shalt  }
0x54: {  	_ =	shalt  }
0x55: {  	_ =	shalt  }
0x56: {  	_ =	shalt  }
0x57: {  	_ =	shalt  }
0x58: {  	_ =	shalt  }
0x59: {  	_ =	shalt  }
0x5a: {  	_ =	shalt  }
0x5b: {  	_ =	shalt  }
0x5c: {  	_ =	shalt  }
0x5d: {  	_ =	shalt  }
0x5e: {  	_ =	shalt  }
0x5f: {  	_ =	shalt  }
0x60: {  	_ =	shalt  }
0x61: {  	_ =	shalt  }
0x62: {  	_ =	shalt  }
0x63: {  	_ =	shalt  }
0x64: {  	_ =	shalt  }
0x65: {  	_ =	shalt  }
0x66: {  	_ =	shalt  }
0x67: {  	_ =	shalt  }
0x68: {  	_ =	shalt  }
0x69: {  	_ =	shalt  }
0x6a: {  	_ =	shalt  }
0x6b: {  	_ =	shalt  }
0x6c: {  	_ =	shalt  }
0x6d: {  	_ =	shalt  }
0x6e: {  	_ =	shalt  }
0x6f: {  	_ =	shalt  }
0x70: {  	_ =	shalt  }
0x71: {  	_ =	shalt  }
0x72: {  	_ =	shalt  }
0x73: {  	_ =	shalt  }
0x74: {  	_ =	shalt  }
0x75: {  	_ =	shalt  }
0x76: {  	_ =	shalt  }
0x77: {  	_ =	shalt  }
0x78: {  	_ =	shalt  }
0x79: {  	_ =	shalt  }
0x7a: {  	_ =	shalt  }
0x7b: {  	_ =	shalt  }
0x7c: {  	_ =	shalt  }
0x7d: {  	_ =	shalt  }
0x7e: {  	_ =	shalt  }
0x7f: {  	_ =	shalt  }
0x80: {  	_ =	shalt  }
0x81: {  	_ =	shalt  }
0x82: {  	_ =	shalt  }
0x83: {  	_ =	shalt  }
0x84: {  	_ =	shalt  }
0x85: {  	_ =	shalt  }
0x86: {  	_ =	shalt  }
0x87: {  	_ =	shalt  }
.Lfunc_end0:
.L_simem_size_0:
called_computation_lowered:
.L_overlay_start_0:
0x88: {  	s2 =	sld [smem:$0x3FD9]  }
0x89: {  	s3 =	sld [smem:$0x3FFE];
	_ =	sdelay $0x1  }
0x8a: {  	s1 =	srdreg.scid  }
0x8b: {  	s0 =	sand.u32 $0x1, s1  }
0x8c: {  	s16 =	sshll.u32 s0, $0xA;
	s2 =	sadd.s32 s3, s2  }
0x8d: {  	s2 =	sadd.s32 s2, s16  }
0x8e: {  	[smem:$0x3FC5] =	sst s2  }
0x8f: {  	_ = 	snop  }
0x90: {  	(tm) =	ssettm $0x1  }
0x91: {  	s17 =	sld [smem:$0x3FFB];
	_ =	sdelay $0x3  }
0x92: {  	_ =	strace s17  }
0x93: {  	s2 =	sld [smem:$0x3FFC];
	_ =	sdelay $0x3  }
0x94: {  	_ =	strace s2  }
0x95: {  	s2 =	sld [smem:$0x3FFD];
	_ =	sdelay $0x3  }
0x96: {  	_ =	strace s2  }
0x97: {  	_ =	strace $0x8FFFFFFF  }
0x98: {  	s18 =	sld [smem:$0x3FDB];
	_ =	sdelay $0x1  }
0x99: {  	s19 =	simm.s32 $_scs_section_size  }
0x9a: {  	s4 =	simm.s32 $_size__tile_overlayer_lowered;
	s5 =	simm.s32 $_tile_overlayer_lowered  }
0x9b: {  	s22 =	simm.s32 $0x1BFF;
	s21 =	sshll.u32 s5, $0x1;
	s2 =	sadd.s32 s19, s18  }
0x9c: {  	s6 =	simm.s32 $0x0;
	s20 =	sshll.u32 s4, $0x1;
	s4 =	sadd.s32 s21, s2  }
0x9d: {  	[timem:s6], [sflag:s22] =	dma.local [hbm:s4], s20  }
0x9e: {  	_ =	swait.ge [sflag:s22], s20  }
0x9f: {  	s3 =	ssub.s32 $0x0, s20;
	[sflag:s22] =	ssyncset.done $0x0  }
0xa0: {  	[sflag:s22] =	ssyncadd.s32 s3;
	_ =	sdelay $0x1  }
0xa1: {  	s23 =	simm.s32 $0x1B8B  }
0xa2: {  	_ =	swait.ge [sflag:s23], $0x1  }
0xa3: {  	[sflag:s23] =	ssyncset.done $0x0  }
0xa4: {  	s25 =	simm.s32 $0x1B8E;
	s24 =	sld [smem:$0x3FFE];
	[sflag:s23] =	ssyncadd.s32 $0xFFFFFFFF  }
0xa5: {  	s26 =	simm.s32 $execute0_lowered;
	[smem:$0x3FD2] =	sst s25  }
0xa6: {  	s4 =	sshll.u32 s26, $0x1;
	_ =	strace $0x80000046;
	[dreg:$0x1] =	wrdreg $0xFFFFFFFF  }
0xa7: {  	s28 =	simm.s32 $_size_execute0_lowered;
	s2 =	sadd.s32 s2, s4;
	[dreg:$0x0] =	wrdreg $0x0  }
0xa8: {  	s4 =	sshll.u32 s28, $0x1;
	[dreg:$0x2] =	wrdreg s2  }
0xa9: {  	[dreg:$0x3] =	wrdreg s4  }
0xaa: {  	[dreg:$0x4] =	wrdreg $0xC0  }
0xab: {  	_ =	task [dreg:s6], $0x5FFFF  }
0xac: {  	[dreg:$0x1] =	wrdreg $0xFFFFFFFF  }
0xad: {  	[dreg:$0x0] =	wrdreg $0x60  }
0xae: {  	[dreg:$0x2] =	wrdreg s24  }
0xaf: {  	[dreg:$0x3] =	wrdreg $0x9  }
0xb0: {  	_ =	task.clear_ibuf [dreg:s6], $0x4FFFF;
	_ =	strace $0x90000046  }
0xb1: {  	s29 =	simm.s32 $0x9;
	_ =	strace $0x80000048  }
0xb2: {  	_ =	swait.ge [sflag:s29], $0x1  }
0xb3: {  	[sflag:s29] =	ssyncadd.s32 $0xFFFFFFFF  }
0xb4: {  	_ =	strace $0x90000048  }
0xb5: {  	_ =	sfence  }
0xb6: {  	s30 =	sld [smem:$0x0];
	_ =	sdelay $0x2  }
0xb7: {  	s31 =	sshll.u32 s1, $0xD;
	s1 =	sshrl.u32 s1, $0x2  }
0xb8: {  	s3 =	sand.u32 $0x4000, s31;
	s1 =	sadd.s32 s1, s30  }
0xb9: {  	s0 =	sor.u32 s3, s0;
	s1 =	sshll.u32 s1, $0x11  }
0xba: {  	s0 =	sor.u32 s1, s0  }
0xbb: {  	s0 =	sadd.s32 $0x8F2B, s0  }
0xbc: {  	[sflag:s0] =	ssyncadd.remote.s32 $0x1  }
0xbd: {  	_ =	sfence.sel $0xFFFF  }
0xbe: {  	[dreg:$0x0] =	wrdreg $0xFFFFFFFF;
	(pc) =	sbr.abs _section_cstart, $3  }
0xbf: {  	[dreg:$0x1] =	wrdreg $0xFFFFFFFF  }
0xc0: {  	_ =	task.clear_ibuf [dreg:s6], $0x2FFFF;
	_ =	strace $0x9FFFFFFF  }
0xc1: {  	(tm) =	ssettm $0x7FFFFFFF  }
tec
execute0_lowered:
.L_overlay_start_1:
0x0: {  	(tag) =	ssettag $0x1  }
0x1: {  	s0 =	srdreg.scid;
	s4 =	rddreg [dreg:$0x0]  }
0x2: {  	s1 =	stileid.u32;
	s2 =	simm.s32 $0x0;
	s9 =	simm.s32 $0x10400  }
0x3: {  	s10 =	simm.s32 $0x80;
	s11 =	simm.s32 $0x400;
	s12 =	simm.s32 $0x4400  }
0x4: {  	s13 =	simm.s32 $0x100;
	s14 =	simm.s32 $0x8400;
	s15 =	simm.s32 $0x180  }
0x5: {  	s16 =	simm.s32 $0xC400;
	s17 =	simm.s32 $0x2;
	s18 =	simm.s32 $0x1  }
0x6: {  	s19 =	simm.s32 $0x18400;
	s20 =	simm.s32 $0x0;
	s3 =	sand.u32 $0x1, s0  }
0x7: {  	s0 =	rddreg [dreg:$0x1];
	s7 =	sshll.u32 s1, $0x7;
	s5 =	sshll.u32 s3, $0x4  }
0x8: {  	[smem:$0x7FF] =	sst s2;
	s7 =	sand.u32 $0x380, s7;
	s5 =	sor.u32 s1, s5  }
0x9: {  	_ =	strace $0x80000047;
	s30 =	ssub.s32 $0x2, s3;
	s6 =	sshll.u32 s5, $0x7  }
0xa: {  	s3 =	sadd.s32 $0xF63800, s4;
	s5 =	sshll.u32 s5, $0xC;
	s8 =	sand.u32 $0xC00, s6  }
0xb: {  	s31 =	sshrl.u32 s30, $0x1;
	s5 =	sadd.s32 s5, s4;
	s7 =	sor.u32 s7, s8  }
0xc: {  	s6 =	sadd.s32 s6, s4;
	s8 =	ssub.s32 s30, s31;
	s7 =	sshrl.u32 s7, $0x3  }
0xd: {  	s5 =	sadd.s32 $0xF42800, s5;
	s7 =	sadd.s32 s7, s4;
	s4 =	sadd.s32 $0xF62800, s6  }
0xe: {  	s6 =	sadd.s32 $0x400, s7;
	s7 =	smax.u32 s8, $0x1;
	s8 =	simm.s32 $0x3  }
.LBB2_1:
0xf: {  	[tilespmem:s2], [sflag:$0x3] =	stream.linear.gather [hbm4b:s4+s2], $0x400, $0x38;
	[tilespmem:$0x18480] =	vst v63  }
0x10: {  	_ =	swait.ge [sflag:s8], $0x400  }
0x11: {  	[sflag:s8] =	ssyncset.done $0x0  }
0x12: {  	[sflag:s8] =	ssyncadd.s32 $0xFFFFFC00  }
0x13: {  	[tilespmem:s9], [sflag:$0x2] =	stream.linear.gather [hbm4b:s5+s2], $0x8000, $0x38;
	[tilespmem:$0x18480] =	vst v63  }
0x14: {  	_ = 	snop  }
0x15: {  	[tilespmem:s11], [sflag:$0x1] =	stream.indirect.gather [hbm4b:s3+s10], $0x80, s2, s10, $0xb8;
	[tilespmem:$0x18480] =	vst v63  }
0x16: {  	_ = 	snop  }
0x17: {  	[tilespmem:s12], [sflag:$0x1] =	stream.indirect.gather [hbm4b:s3+s10], $0x80, s10, s10, $0xb8;
	[tilespmem:$0x18480] =	vst v63  }
0x18: {  	_ = 	snop  }
0x19: {  	[tilespmem:s14], [sflag:$0x1] =	stream.indirect.gather [hbm4b:s3+s10], $0x80, s13, s10, $0xb8;
	[tilespmem:$0x18480] =	vst v63  }
0x1a: {  	_ = 	snop  }
0x1b: {  	[tilespmem:s16], [sflag:$0x1] =	stream.indirect.gather [hbm4b:s3+s10], $0x80, s15, s10, $0xb8;
	[tilespmem:$0x18480] =	vst v63  }
0x1c: {  	_ =	swait.ge [sflag:s17], $0x8000  }
0x1d: {  	[sflag:s17] =	ssyncset.done $0x0  }
0x1e: {  	[sflag:s17] =	ssyncadd.s32 $0xFFFF8000  }
0x1f: {  	_ =	swait.ge [sflag:s18], $0x4000  }
0x20: {  	[sflag:s18] =	ssyncset.done $0x0  }
0x21: {  	[sflag:s18] =	ssyncadd.s32 $0xFFFFC000  }
0x22: {  	_ =	swait.ge [sflag:s18], $0x4000  }
0x23: {  	[sflag:s18] =	ssyncset.done $0x0  }
0x24: {  	[sflag:s18] =	ssyncadd.s32 $0xFFFFC000  }
0x25: {  	_ =	swait.ge [sflag:s18], $0x4000  }
0x26: {  	[sflag:s18] =	ssyncset.done $0x0  }
0x27: {  	[sflag:s18] =	ssyncadd.s32 $0xFFFFC000  }
0x28: {  	_ =	swait.ge [sflag:s18], $0x4000  }
0x29: {  	[sflag:s18] =	ssyncset.done $0x0  }
0x2a: {  	s21 =	simm.s32 $0x480;
	[sflag:s18] =	ssyncadd.s32 $0xFFFFC000  }
0x2b: {  	v5 =	vld [tilespmem:s21+$0x0]  }
0x2c: {  	v1 =	vld [tilespmem:s21+$0x10]  }
0x2d: {  	v10 =	vld [tilespmem:s21+$0x20]  }
0x2e: {  	s23 =	simm.s32 $0x0;
	v11 =	vld [tilespmem:s21+$0x30]  }
0x2f: {  	v6 =	vld [tilespmem:s23+$0x10440]  }
0x30: {  	v12 =	vld [tilespmem:s23+$0x10450]  }
0x31: {  	v13 =	vld [tilespmem:s21+$0xFFFFFF80]  }
0x32: {  	v14 =	vld [tilespmem:s21+$0xFFFFFF90]  }
0x33: {  	v15 =	vld [tilespmem:s21+$0xFFFFFFA0]  }
0x34: {  	v16 =	vld [tilespmem:s21+$0xFFFFFFB0]  }
0x35: {  	v19 =	vld [tilespmem:s23+$0x10400]  }
0x36: {  	v8 =	vimm.f32 $0.0e+00;
	v18 =	vld [tilespmem:s23+$0x10410]  }
0x37: {  	s22 =	simm.s32 $0x200;
	v9 =	vimm.f32 $0.0e+00;
	v7 =	vimm.f32 $0.0e+00;
	v3 =	vimm.f32 $0.0e+00;
	v17 =	vld [tilespmem:s23+$0x10420]  }
.LBB2_2:
0x38: {  	p0 =	sne.s32 s22, $0x7E00;
	v0 =	vld [tilespmem:s23+$0x10430]  }
0x39: {  	v2 =	vld [tilespmem:s23+$0x10460]  }
0x3a: {  	v4 =	vsub.f32 v6, v5;
	s21 =	sadd.s32 $0x100, s21;
	v20 =	vld [tilespmem:s23+$0x10470]  }
0x3b: {  	v12 =	vsub.f32 v12, v1;
	v6 =	vsub.f32 v19, v13;
	v5 =	vld [tilespmem:s21+$0x0]  }
0x3c: {  	v13 =	vsub.f32 v18, v14;
	v1 =	vld [tilespmem:s21+$0x10];
	v14 =	vsub.f32 v17, v15  }
0x3d: {  	v4 =	vmul.f32 v4, v4;
	v15 =	vld [tilespmem:s21+$0x20];
	v0 =	vsub.f32 v0, v16;
	v16 =	vmul.f32 v12, v12  }
0x3e: {  	s23 =	sshra.s32 s22, $0x2;
	v18 =	vmul.f32 v6, v6;
	v13 =	vmul.f32 v13, v13;
	v17 =	vld [tilespmem:s21+$0x30];
	v2 =	vsub.f32 v2, v10  }
0x3f: {  	v19 =	vmul.f32 v14, v14;
	v6 =	vld [tilespmem:s23+$0x10440];
	v0 =	vmul.f32 v0, v0;
	v11 =	vsub.f32 v20, v11  }
0x40: {  	v8 =	vadd.f32 v18, v8;
	v9 =	vadd.f32 v13, v9;
	v12 =	vld [tilespmem:s23+$0x10450];
	v2 =	vmul.f32 v2, v2  }
0x41: {  	v7 =	vadd.f32 v19, v7;
	v13 =	vld [tilespmem:s21+$0xFFFFFF80];
	v0 =	vadd.f32 v0, v3;
	v3 =	vmul.f32 v11, v11  }
0x42: {  	v8 =	vadd.f32 v4, v8;
	v9 =	vadd.f32 v16, v9;
	v14 =	vld [tilespmem:s21+$0xFFFFFF90];
	v10 =	vmov v15  }
.Ltmp0:
0x43: {  	v7 =	vadd.f32 v2, v7;
	v15 =	vld [tilespmem:s21+$0xFFFFFFA0];
	v3 =	vadd.f32 v3, v0;
	v11 =	vmov v17;
	(pc) =	sbr.rel @p0 .LBB2_2-.Ltmp0, $4  }
0x44: {  	v16 =	vld [tilespmem:s21+$0xFFFFFFB0]  }
0x45: {  	v19 =	vld [tilespmem:s23+$0x10400]  }
0x46: {  	v18 =	vld [tilespmem:s23+$0x10410]  }
0x47: {  	s22 =	sadd.s32 $0x200, s22;
	v17 =	vld [tilespmem:s23+$0x10420]  }
0x48: {  	v20 =	vld [tilespmem:s23+$0x10430]  }
0x49: {  	v21 =	vld [tilespmem:s23+$0x10460]  }
0x4a: {  	v22 =	vld [tilespmem:s23+$0x10470];
	s21 =	simm.s32 $0x12470  }
0x4b: {  	v2 =	vld [tilespmem:s21+$0xFFFFFFD0]  }
0x4c: {  	v0 =	vld [tilespmem:s21+$0xFFFFFFE0]  }
0x4d: {  	v4 =	vld [tilespmem:s21+$0xFFFFFFF0]  }
0x4e: {  	v5 =	vsub.f32 v6, v5;
	s22 =	simm.s32 $0x0;
	v1 =	vsub.f32 v12, v1;
	v6 =	vld [tilespmem:s21+$0x0]  }
0x4f: {  	v12 =	vld [tilespmem:s22+$0x4490];
	v19 =	vsub.f32 v19, v13;
	v14 =	vsub.f32 v18, v14  }
0x50: {  	v13 =	vld [tilespmem:s22+$0x4480];
	v15 =	vsub.f32 v17, v15  }
0x51: {  	v17 =	vmul.f32 v19, v19;
	v16 =	vsub.f32 v20, v16;
	v18 =	vmul.f32 v14, v14;
	v14 =	vld [tilespmem:s21+$0xFFFFFF90]  }
0x52: {  	v5 =	vmul.f32 v5, v5;
	v10 =	vsub.f32 v21, v10;
	v19 =	vmul.f32 v15, v15;
	v15 =	vld [tilespmem:s21+$0xFFFFFFA0]  }
0x53: {  	v11 =	vsub.f32 v22, v11;
	v8 =	vadd.f32 v17, v8;
	v17 =	vld [tilespmem:s21+$0xFFFFFFC0];
	v20 =	vmul.f32 v16, v16  }
0x54: {  	v1 =	vmul.f32 v1, v1;
	v9 =	vadd.f32 v18, v9;
	v16 =	vld [tilespmem:s21+$0xFFFFFFB0];
	v21 =	vmul.f32 v10, v10  }
0x55: {  	v18 =	vld [tilespmem:s22+$0x4400];
	v7 =	vadd.f32 v19, v7;
	v3 =	vadd.f32 v20, v3;
	v20 =	vmul.f32 v11, v11  }
0x56: {  	v19 =	vld [tilespmem:s22+$0x4410];
	v11 =	vadd.f32 v5, v8;
	v10 =	vadd.f32 v1, v9  }
0x57: {  	s23 =	simm.s32 $0x400;
	v9 =	vadd.f32 v21, v7;
	v8 =	vadd.f32 v20, v3;
	v20 =	vld [tilespmem:s22+$0x4420]  }
.LBB2_4:
0x58: {  	p0 =	sne.s32 s23, $0xFC00;
	v1 =	vld [tilespmem:s22+$0x4430]  }
0x59: {  	v3 =	vld [tilespmem:s22+$0x44A0]  }
0x5a: {  	v5 =	vsub.f32 v2, v13;
	s21 =	sadd.s32 $0x80, s21;
	v7 =	vld [tilespmem:s22+$0x44B0]  }
0x5b: {  	v12 =	vsub.f32 v0, v12;
	v13 =	vsub.f32 v14, v18;
	v2 =	vld [tilespmem:s21+$0xFFFFFFD0]  }
0x5c: {  	v14 =	vsub.f32 v15, v19;
	v0 =	vld [tilespmem:s21+$0xFFFFFFE0];
	v15 =	vsub.f32 v16, v20  }
0x5d: {  	v5 =	vmul.f32 v5, v5;
	v16 =	vld [tilespmem:s21+$0xFFFFFFF0];
	v1 =	vsub.f32 v17, v1;
	v17 =	vmul.f32 v12, v12  }
0x5e: {  	s22 =	sshra.s32 s23, $0x2;
	v19 =	vmul.f32 v13, v13;
	v14 =	vmul.f32 v14, v14;
	v18 =	vld [tilespmem:s21+$0x0];
	v3 =	vsub.f32 v4, v3  }
0x5f: {  	v20 =	vmul.f32 v15, v15;
	v13 =	vld [tilespmem:s22+$0x4480];
	v1 =	vmul.f32 v1, v1;
	v6 =	vsub.f32 v6, v7  }
0x60: {  	v7 =	vadd.f32 v19, v11;
	v10 =	vadd.f32 v14, v10;
	v12 =	vld [tilespmem:s22+$0x4490];
	v3 =	vmul.f32 v3, v3  }
0x61: {  	v9 =	vadd.f32 v20, v9;
	v14 =	vld [tilespmem:s21+$0xFFFFFF90];
	v1 =	vadd.f32 v1, v8;
	v19 =	vmul.f32 v6, v6  }
0x62: {  	v11 =	vadd.f32 v5, v7;
	v10 =	vadd.f32 v17, v10;
	v15 =	vld [tilespmem:s21+$0xFFFFFFA0];
	v4 =	vmov v16  }
.Ltmp1:
0x63: {  	v9 =	vadd.f32 v3, v9;
	v16 =	vld [tilespmem:s21+$0xFFFFFFB0];
	v8 =	vadd.f32 v19, v1;
	v6 =	vmov v18;
	(pc) =	sbr.rel @p0 .LBB2_4-.Ltmp1, $4  }
0x64: {  	v17 =	vld [tilespmem:s21+$0xFFFFFFC0]  }
0x65: {  	v18 =	vld [tilespmem:s22+$0x4400]  }
0x66: {  	v19 =	vld [tilespmem:s22+$0x4410]  }
0x67: {  	s23 =	sadd.s32 $0x400, s23;
	v20 =	vld [tilespmem:s22+$0x4420]  }
0x68: {  	v21 =	vld [tilespmem:s22+$0x4430]  }
0x69: {  	v22 =	vld [tilespmem:s22+$0x44A0]  }
0x6a: {  	v23 =	vld [tilespmem:s22+$0x44B0];
	s21 =	simm.s32 $0x8400  }
0x6b: {  	v3 =	vld [tilespmem:s21+$0x80]  }
0x6c: {  	v1 =	vld [tilespmem:s21+$0x90]  }
0x6d: {  	v5 =	vld [tilespmem:s21+$0xA0]  }
0x6e: {  	v2 =	vsub.f32 v2, v13;
	s22 =	simm.s32 $0x0;
	v7 =	vld [tilespmem:s21+$0xB0]  }
0x6f: {  	v0 =	vsub.f32 v0, v12;
	v13 =	vld [tilespmem:s22+$0x14440];
	v14 =	vsub.f32 v14, v18  }
0x70: {  	v12 =	vld [tilespmem:s22+$0x14450];
	v2 =	vmul.f32 v2, v2;
	v15 =	vsub.f32 v15, v19;
	v16 =	vsub.f32 v16, v20  }
0x71: {  	v0 =	vmul.f32 v0, v0;
	v18 =	vmul.f32 v14, v14;
	v14 =	vld [tilespmem:s21+$0x0];
	v17 =	vsub.f32 v17, v21  }
0x72: {  	v19 =	vmul.f32 v15, v15;
	v4 =	vsub.f32 v4, v22;
	v15 =	vld [tilespmem:s21+$0x10];
	v16 =	vmul.f32 v16, v16  }
0x73: {  	v6 =	vsub.f32 v6, v23;
	v18 =	vadd.f32 v18, v11;
	v11 =	vld [tilespmem:s21+$0x20];
	v17 =	vmul.f32 v17, v17  }
0x74: {  	v19 =	vadd.f32 v19, v10;
	v4 =	vmul.f32 v4, v4;
	v20 =	vadd.f32 v16, v9;
	v16 =	vld [tilespmem:s21+$0x30]  }
0x75: {  	v6 =	vmul.f32 v6, v6;
	v10 =	vadd.f32 v2, v18;
	v18 =	vld [tilespmem:s22+$0x14410];
	v63 =	vadd.f32 v17, v8  }
0x76: {  	v17 =	vld [tilespmem:s22+$0x14400];
	v9 =	vadd.f32 v0, v19  }
0x77: {  	s23 =	simm.s32 $0x200;
	v19 =	vld [tilespmem:s22+$0x14420];
	v8 =	vadd.f32 v4, v20;
	v6 =	vadd.f32 v6, v63  }
.LBB2_6:
0x78: {  	p0 =	sne.s32 s23, $0x7E00;
	v0 =	vld [tilespmem:s22+$0x14430]  }
0x79: {  	v2 =	vld [tilespmem:s22+$0x14460]  }
0x7a: {  	v4 =	vsub.f32 v13, v3;
	s21 =	sadd.s32 $0x100, s21;
	v20 =	vld [tilespmem:s22+$0x14470]  }
0x7b: {  	v12 =	vsub.f32 v12, v1;
	v13 =	vsub.f32 v17, v14;
	v3 =	vld [tilespmem:s21+$0x80]  }
0x7c: {  	v14 =	vsub.f32 v18, v15;
	v1 =	vld [tilespmem:s21+$0x90];
	v11 =	vsub.f32 v19, v11  }
0x7d: {  	v4 =	vmul.f32 v4, v4;
	v17 =	vld [tilespmem:s21+$0xA0];
	v0 =	vsub.f32 v0, v16;
	v16 =	vmul.f32 v12, v12  }
0x7e: {  	s22 =	sshra.s32 s23, $0x2;
	v15 =	vmul.f32 v13, v13;
	v14 =	vmul.f32 v14, v14;
	v18 =	vld [tilespmem:s21+$0xB0];
	v2 =	vsub.f32 v2, v5  }
0x7f: {  	v11 =	vmul.f32 v11, v11;
	v13 =	vld [tilespmem:s22+$0x14440];
	v0 =	vmul.f32 v0, v0;
	v7 =	vsub.f32 v20, v7  }
0x80: {  	v10 =	vadd.f32 v15, v10;
	v9 =	vadd.f32 v14, v9;
	v12 =	vld [tilespmem:s22+$0x14450];
	v2 =	vmul.f32 v2, v2  }
0x81: {  	v8 =	vadd.f32 v11, v8;
	v14 =	vld [tilespmem:s21+$0x0];
	v0 =	vadd.f32 v0, v6;
	v6 =	vmul.f32 v7, v7  }
0x82: {  	v10 =	vadd.f32 v4, v10;
	v9 =	vadd.f32 v16, v9;
	v15 =	vld [tilespmem:s21+$0x10];
	v5 =	vmov v17  }
.Ltmp2:
0x83: {  	v8 =	vadd.f32 v2, v8;
	v11 =	vld [tilespmem:s21+$0x20];
	v6 =	vadd.f32 v6, v0;
	v7 =	vmov v18;
	(pc) =	sbr.rel @p0 .LBB2_6-.Ltmp2, $4  }
0x84: {  	v16 =	vld [tilespmem:s21+$0x30]  }
0x85: {  	v17 =	vld [tilespmem:s22+$0x14400]  }
0x86: {  	v18 =	vld [tilespmem:s22+$0x14410]  }
0x87: {  	s23 =	sadd.s32 $0x200, s23;
	v19 =	vld [tilespmem:s22+$0x14420]  }
0x88: {  	v20 =	vld [tilespmem:s22+$0x14430]  }
0x89: {  	v21 =	vld [tilespmem:s22+$0x14460]  }
0x8a: {  	v22 =	vld [tilespmem:s22+$0x14470];
	s21 =	simm.s32 $0xC400  }
0x8b: {  	v2 =	vld [tilespmem:s21+$0x80]  }
0x8c: {  	v0 =	vld [tilespmem:s21+$0x90]  }
0x8d: {  	v4 =	vld [tilespmem:s21+$0xA0]  }
0x8e: {  	v23 =	vsub.f32 v13, v3;
	s22 =	simm.s32 $0x0;
	v3 =	vld [tilespmem:s21+$0xB0]  }
0x8f: {  	v13 =	vld [tilespmem:s22+$0x16440];
	v14 =	vsub.f32 v17, v14;
	v15 =	vsub.f32 v18, v15  }
0x90: {  	v1 =	vsub.f32 v12, v1;
	v12 =	vld [tilespmem:s21+$0x0];
	v17 =	vsub.f32 v19, v11  }
0x91: {  	v11 =	vld [tilespmem:s22+$0x16450];
	v18 =	vmul.f32 v14, v14;
	v16 =	vsub.f32 v20, v16;
	v15 =	vmul.f32 v15, v15  }
0x92: {  	v14 =	vld [tilespmem:s21+$0x10];
	v5 =	vsub.f32 v21, v5;
	v7 =	vsub.f32 v22, v7;
	v17 =	vmul.f32 v17, v17  }
0x93: {  	v18 =	vadd.f32 v18, v10;
	v10 =	vmul.f32 v16, v16;
	v15 =	vadd.f32 v15, v9;
	v9 =	vld [tilespmem:s21+$0x20]  }
0x94: {  	v1 =	vmul.f32 v1, v1;
	v16 =	vmul.f32 v23, v23;
	v17 =	vadd.f32 v17, v8;
	v8 =	vld [tilespmem:s21+$0x30]  }
0x95: {  	v5 =	vmul.f32 v5, v5;
	v63 =	vmul.f32 v7, v7;
	v19 =	vadd.f32 v10, v6;
	v10 =	vld [tilespmem:s22+$0x16400]  }
0x96: {  	v6 =	vadd.f32 v16, v18;
	v7 =	vadd.f32 v1, v15;
	v15 =	vld [tilespmem:s22+$0x16410]  }
0x97: {  	s23 =	simm.s32 $0x200;
	v16 =	vld [tilespmem:s22+$0x16420];
	v5 =	vadd.f32 v5, v17;
	v1 =	vadd.f32 v63, v19  }
.LBB2_8:
0x98: {  	p0 =	sne.s32 s23, $0x7E00;
	v17 =	vld [tilespmem:s22+$0x16430]  }
0x99: {  	v18 =	vld [tilespmem:s22+$0x16460]  }
0x9a: {  	v13 =	vsub.f32 v13, v2;
	s21 =	sadd.s32 $0x100, s21;
	v19 =	vld [tilespmem:s22+$0x16470]  }
0x9b: {  	v11 =	vsub.f32 v11, v0;
	v10 =	vsub.f32 v10, v12;
	v2 =	vld [tilespmem:s21+$0x80]  }
0x9c: {  	v12 =	vsub.f32 v15, v14;
	v0 =	vld [tilespmem:s21+$0x90];
	v9 =	vsub.f32 v16, v9  }
0x9d: {  	v16 =	vmul.f32 v13, v13;
	v15 =	vld [tilespmem:s21+$0xA0];
	v8 =	vsub.f32 v17, v8;
	v17 =	vmul.f32 v11, v11  }
0x9e: {  	s22 =	sshra.s32 s23, $0x2;
	v10 =	vmul.f32 v10, v10;
	v12 =	vmul.f32 v12, v12;
	v20 =	vld [tilespmem:s21+$0xB0];
	v4 =	vsub.f32 v18, v4  }
0x9f: {  	v9 =	vmul.f32 v9, v9;
	v13 =	vld [tilespmem:s22+$0x16440];
	v8 =	vmul.f32 v8, v8;
	v3 =	vsub.f32 v19, v3  }
0xa0: {  	v6 =	vadd.f32 v10, v6;
	v7 =	vadd.f32 v12, v7;
	v11 =	vld [tilespmem:s22+$0x16450];
	v10 =	vmul.f32 v4, v4  }
0xa1: {  	v5 =	vadd.f32 v9, v5;
	v12 =	vld [tilespmem:s21+$0x0];
	v1 =	vadd.f32 v8, v1;
	v8 =	vmul.f32 v3, v3  }
0xa2: {  	v6 =	vadd.f32 v16, v6;
	v7 =	vadd.f32 v17, v7;
	v14 =	vld [tilespmem:s21+$0x10];
	v4 =	vmov v15  }
.Ltmp3:
0xa3: {  	v5 =	vadd.f32 v10, v5;
	v9 =	vld [tilespmem:s21+$0x20];
	v1 =	vadd.f32 v8, v1;
	v3 =	vmov v20;
	(pc) =	sbr.rel @p0 .LBB2_8-.Ltmp3, $4  }
0xa4: {  	v8 =	vld [tilespmem:s21+$0x30]  }
0xa5: {  	v10 =	vld [tilespmem:s22+$0x16400]  }
0xa6: {  	v15 =	vld [tilespmem:s22+$0x16410]  }
0xa7: {  	s23 =	sadd.s32 $0x200, s23;
	v16 =	vld [tilespmem:s22+$0x16420]  }
0xa8: {  	v17 =	vld [tilespmem:s22+$0x16430]  }
0xa9: {  	v18 =	vld [tilespmem:s22+$0x16460]  }
0xaa: {  	v2 =	vsub.f32 v13, v2  }
0xab: {  	v61 =	vld [tilespmem:s22+$0x16470];
	v10 =	vsub.f32 v10, v12;
	v62 =	vsub.f32 v15, v14  }
0xac: {  	v2 =	vmul.f32 v2, v2;
	v9 =	vsub.f32 v16, v9  }
0xad: {  	v0 =	vsub.f32 v11, v0;
	v10 =	vmul.f32 v10, v10;
	v63 =	vmul.f32 v62, v62  }
0xae: {  	v8 =	vsub.f32 v17, v8;
	v4 =	vsub.f32 v18, v4;
	v9 =	vmul.f32 v9, v9  }
0xaf: {  	v0 =	vmul.f32 v0, v0;
	v6 =	vadd.f32 v10, v6;
	v7 =	vadd.f32 v63, v7  }
0xb0: {  	v3 =	vsub.f32 v61, v3;
	v8 =	vmul.f32 v8, v8;
	v5 =	vadd.f32 v9, v5  }
0xb1: {  	v4 =	vmul.f32 v4, v4;
	v2 =	vadd.f32 v2, v6;
	v0 =	vadd.f32 v0, v7  }
0xb2: {  	v1 =	vadd.f32 v8, v1  }
0xb3: {  	v3 =	vmul.f32 v3, v3;
	v4 =	vadd.f32 v4, v5;
	v0 =	vadd.f32 v0, v2;
	_ =	sdelay $0x1  }
0xb4: {  	v1 =	vadd.f32 v3, v1;
	v0 =	vadd.f32 v4, v0;
	_ =	sdelay $0x1  }
0xb5: {  	v0 =	vadd.f32 v1, v0;
	_ =	sdelay $0x1  }
0xb6: {  	s20 =	sadd.s32 $0x1, s20;
	v0 =	vmul.f32 $6.103515630e-05, v0  }
0xb7: {  	p0 =	sne.s32 s20, s7  }
.Ltmp4:
0xb8: {  	[tilespmem:$0x18400] =	vst v0;
	(pc) =	sbr.rel @p0 .LBB2_1-.Ltmp4, $4  }
0xb9: {  	[hbm4b:s6+s2] =	stream.linear.scatter [tilespmem:s19], [sflag:$0x3], $0x80, $0x38;
	[tilespmem:$0x18480] =	vst v63  }
0xba: {  	_ =	swait.ge [sflag:s8], $0x80  }
0xbb: {  	[sflag:s8] =	ssyncset.done $0x0  }
0xbc: {  	[sflag:s8] =	ssyncadd.s32 $0xFFFFFF80  }
0xbd: {  	_ =	sfence.sel $0x180000  }
0xbe: {  	[bflag:$0x0] =	sbarrier.arrive $0xFFFF  }
0xbf: {  	p0 =	sne.s32 s1, $0x0;
	_ =	strace $0x90000047  }
0xc0: {  	s0 =	sadd.s32 @!p0 $0x100000, s0;
	[bflag:$0x2] =	sbarrier.arrive $0xFFFF  }
0xc1: {  	[sflag:s0] =	ssyncadd.tile.s32 @!p0 $0x1;
	_ =	shalt  }
.Lfunc_end2:
_tile_overlayer_lowered:
.L_overlay_start_2:
0xc2: {  	(tag) =	ssettag $0x2  }
0xc3: {  	s0 =	rddreg [dreg:$0x0];
	s2 =	stileid.u32  }
0xc4: {  	s1 =	rddreg [dreg:$0x1];
	p0 =	sne.s32 s2, $0x0  }
0xc5: {  	s3 =	rddreg [dreg:$0x2];
	[bflag:$0x3] =	sbarrier.arrive $0xFFFF;
	s2 =	simm.s32 @!p0 $0x1C03  }
0xc6: {  	[timem:s3], [sflag:s2] =	dma.local @!p0 [hbm:s0], s1  }
0xc7: {  	s0 =	simm.s32 @!p0 $0x3  }
0xc8: {  	_ =	swait.ge @!p0 [sflag:s0], s1  }
0xc9: {  	s1 =	ssub.s32 @!p0 $0x0, s1;
	[sflag:s0] =	ssyncset.done @!p0 $0x0  }
0xca: {  	[sflag:s0] =	ssyncadd.s32 @!p0 s1  }
0xcb: {  	[bflag:$0x3] =	sbarrier.arrive $0xFFFF  }
0xcc: {  	_ =	shalt  }

</sc_bundles>
